<compile_context>
chip_gen: v7x
topology: tpu7x:2x2x1
jax: 0.10.2.dev20260603
libtpu: 0.0.44.dev20260713+nightly
codegen_flags: <defaults>
</compile_context>

<pallas_src>
import functools

import jax
import jax.numpy as jnp
from jax import lax
from jax.experimental import pallas as pl
from jax.experimental.pallas import tpu as pltpu
from jax.experimental.pallas import tpu_sc as plsc

N = 20000
TPAD = 20480
TROWS = TPAD // 128

MTC = 12160
SOCT = 4
GTC = MTC // (8 * SOCT)

NSC = N - MTC
NW = 32
SBLK = 8
NSC_PAD = ((NSC + NW * SBLK - 1) // (NW * SBLK)) * (NW * SBLK)
SRC_PER_W = NSC_PAD // NW
UNROLL = 2
NTV = N // 16
CB_T = 640
NCOL = TPAD


def _tc_sweep(sx, sy, sz, sq, tx, ty, tz, tq):

    def body(sx_r, sy_r, sz_r, sq_r, tx_r, ty_r, tz_r, tq_r,
             rowsum_r, colpart_r, colacc_r):
        i = pl.program_id(0)

        @pl.when(i == 0)
        def _():
            def ini(t, carry):
                colacc_r[:, pl.ds(t * 128, 128)] = jnp.full(
                    (8, 128), 3.0e38, jnp.float32)
                return carry
            lax.fori_loop(0, TROWS, ini, 0)

        sxo = [sx_r[o] for o in range(SOCT)]
        syo = [sy_r[o] for o in range(SOCT)]
        szo = [sz_r[o] for o in range(SOCT)]
        sqo = [sq_r[o] for o in range(SOCT)]

        rowinit = tuple(jnp.full((8, 128), 3.0e38, jnp.float32)
                        for _ in range(SOCT))

        def tile(j, rowaccs):
            rowaccs = list(rowaccs)
            for r in range(2):
                t = j * 2 + r
                txv = tx_r[t]
                tyv = ty_r[t]
                tzv = tz_r[t]
                tqv = tq_r[t]
                slab = colacc_r[:, pl.ds(t * 128, 128)]
                for o in range(SOCT):
                    d = (tqv + txv * sxo[o] + tyv * syo[o]
                         + tzv * szo[o]) + sqo[o]
                    rowaccs[o] = jnp.minimum(rowaccs[o], d)
                    slab = jnp.minimum(slab, d)
                colacc_r[:, pl.ds(t * 128, 128)] = slab
            return tuple(rowaccs)

        rowaccs = lax.fori_loop(0, TROWS // 2, tile, rowinit)

        blocksum = jnp.float32(0.0)
        for o in range(SOCT):
            blocksum = blocksum + jnp.sum(
                jnp.min(rowaccs[o], axis=1, keepdims=True))
        blocksum = blocksum.reshape(1, 1)

        @pl.when(i == 0)
        def _():
            rowsum_r[...] = blocksum

        @pl.when(i > 0)
        def _():
            rowsum_r[...] = rowsum_r[...] + blocksum

        @pl.when(i == GTC - 1)
        def _():
            def fin(t, carry):
                slab = colacc_r[:, pl.ds(t * 128, 128)]
                colpart_r[t] = jnp.min(slab, axis=0, keepdims=True)
                return carry
            lax.fori_loop(0, TROWS, fin, 0)

    return pl.pallas_call(
        body,
        grid=(GTC,),
        in_specs=[
            pl.BlockSpec((SOCT, 8, 128), lambda i: (i, 0, 0)),
            pl.BlockSpec((SOCT, 8, 128), lambda i: (i, 0, 0)),
            pl.BlockSpec((SOCT, 8, 128), lambda i: (i, 0, 0)),
            pl.BlockSpec((SOCT, 8, 128), lambda i: (i, 0, 0)),
            pl.BlockSpec((TROWS, 8, 128), lambda i: (0, 0, 0)),
            pl.BlockSpec((TROWS, 8, 128), lambda i: (0, 0, 0)),
            pl.BlockSpec((TROWS, 8, 128), lambda i: (0, 0, 0)),
            pl.BlockSpec((TROWS, 8, 128), lambda i: (0, 0, 0)),
        ],
        out_specs=[
            pl.BlockSpec((1, 1), lambda i: (0, 0)),
            pl.BlockSpec((TROWS, 1, 128), lambda i: (0, 0, 0)),
        ],
        out_shape=[
            jax.ShapeDtypeStruct((1, 1), jnp.float32),
            jax.ShapeDtypeStruct((TROWS, 1, 128), jnp.float32),
        ],
        scratch_shapes=[pltpu.VMEM((8, TPAD), jnp.float32)],
    )(sx, sy, sz, sq, tx, ty, tz, tq)


def _sc_sweep(src_x, src_y, src_z, src_q, src_m, tgt_x, tgt_y, tgt_z, tgt_q):
    mesh = plsc.VectorSubcoreMesh(core_axis_name="c", subcore_axis_name="s")

    @functools.partial(
        pl.kernel,
        mesh=mesh,
        out_type=(jax.ShapeDtypeStruct((NW, 16), jnp.float32),
                  jax.ShapeDtypeStruct((NW, NCOL), jnp.float32)),
        compiler_params=pltpu.CompilerParams(needs_layout_passes=False),
        scratch_types=[
            pltpu.VMEM((N,), jnp.float32),
            pltpu.VMEM((N,), jnp.float32),
            pltpu.VMEM((N,), jnp.float32),
            pltpu.VMEM((N,), jnp.float32),
            pltpu.VMEM((NCOL,), jnp.float32),
            pltpu.VMEM((SRC_PER_W + 16,), jnp.float32),
            pltpu.VMEM((SRC_PER_W + 16,), jnp.float32),
            pltpu.VMEM((SRC_PER_W + 16,), jnp.float32),
            pltpu.VMEM((SRC_PER_W + 16,), jnp.float32),
            pltpu.VMEM((SRC_PER_W + 16,), jnp.float32),
            pltpu.VMEM((16,), jnp.float32),
        ],
    )
    def body(src_x_h, src_y_h, src_z_h, src_q_h, src_m_h,
             tgt_x_h, tgt_y_h, tgt_z_h, tgt_q_h,
             rows_h, cols_h,
             tx_v, ty_v, tz_v, tq_v, col_v,
             sx_v, sy_v, sz_v, sq_v, sm_v, out_v):
        c = lax.axis_index("c")
        s = lax.axis_index("s")
        wid = c * 16 + s
        base = wid * SRC_PER_W

        pltpu.sync_copy(tgt_x_h, tx_v)
        pltpu.sync_copy(tgt_y_h, ty_v)
        pltpu.sync_copy(tgt_z_h, tz_v)
        pltpu.sync_copy(tgt_q_h, tq_v)
        pltpu.sync_copy(src_x_h.at[pl.ds(base, SRC_PER_W)],
                        sx_v.at[pl.ds(0, SRC_PER_W)])
        pltpu.sync_copy(src_y_h.at[pl.ds(base, SRC_PER_W)],
                        sy_v.at[pl.ds(0, SRC_PER_W)])
        pltpu.sync_copy(src_z_h.at[pl.ds(base, SRC_PER_W)],
                        sz_v.at[pl.ds(0, SRC_PER_W)])
        pltpu.sync_copy(src_q_h.at[pl.ds(base, SRC_PER_W)],
                        sq_v.at[pl.ds(0, SRC_PER_W)])
        pltpu.sync_copy(src_m_h.at[pl.ds(base, SRC_PER_W)],
                        sm_v.at[pl.ds(0, SRC_PER_W)])

        big = jnp.full((16,), 3.0e38, jnp.float32)

        def col_init(j, carry):
            col_v[pl.ds(j * 16, 16)] = big
            return carry

        lax.fori_loop(0, NTV, col_init, jnp.float32(0.0))

        zeros16 = jnp.zeros((16,), jnp.float32)

        def col_tail_init(j, carry):
            col_v[pl.ds(NTV * 16 + j * 16, 16)] = zeros16
            return carry

        lax.fori_loop(0, (NCOL - N) // 16, col_tail_init, jnp.float32(0.0))

        def src_block(b, psum):
            i0 = b * SBLK
            vx = sx_v[pl.ds(i0, 16)]
            vy = sy_v[pl.ds(i0, 16)]
            vz = sz_v[pl.ds(i0, 16)]
            vq = sq_v[pl.ds(i0, 16)]
            bx, by, bz, bq = [], [], [], []
            for k in range(SBLK):
                bx.append(jnp.full((16,), vx[k], jnp.float32))
                by.append(jnp.full((16,), vy[k], jnp.float32))
                bz.append(jnp.full((16,), vz[k], jnp.float32))
                bq.append(jnp.full((16,), vq[k], jnp.float32))

            init = tuple(big for _ in range(SBLK))

            def tgt_iter(j, accs):
                accs = list(accs)
                o = j * (16 * UNROLL)
                for u in range(UNROLL):
                    off = o + u * 16
                    tx = tx_v[pl.ds(off, 16)]
                    ty = ty_v[pl.ds(off, 16)]
                    tz = tz_v[pl.ds(off, 16)]
                    tq = tq_v[pl.ds(off, 16)]
                    cmin = None
                    for k in range(SBLK):
                        e = tq + bx[k] * tx + by[k] * ty + bz[k] * tz
                        accs[k] = jnp.minimum(accs[k], e)
                        d = e + bq[k]
                        cmin = d if cmin is None else jnp.minimum(cmin, d)
                    col_v[pl.ds(off, 16)] = jnp.minimum(
                        col_v[pl.ds(off, 16)], cmin)
                return tuple(accs)

            accs = lax.fori_loop(0, NTV // UNROLL, tgt_iter, init)

            mv = sm_v[pl.ds(i0, 16)]
            for k in range(SBLK):
                psum = psum + (jnp.min(accs[k]) + vq[k]) * mv[k]
            return psum

        psum = lax.fori_loop(0, SRC_PER_W // SBLK, src_block,
                             jnp.float32(0.0))

        lane = lax.broadcasted_iota(jnp.int32, (16,), 0)
        out_v[...] = jnp.where(lane == 0, psum, 0.0)
        pltpu.sync_copy(out_v, rows_h.at[wid])
        pltpu.sync_copy(col_v, cols_h.at[wid])

    return body(src_x, src_y, src_z, src_q, src_m,
                tgt_x, tgt_y, tgt_z, tgt_q)


def _sc_combine(cols, coltc):
    mesh = plsc.VectorSubcoreMesh(core_axis_name="c", subcore_axis_name="s")

    @functools.partial(
        pl.kernel,
        mesh=mesh,
        out_type=jax.ShapeDtypeStruct((NW, 16), jnp.float32),
        compiler_params=pltpu.CompilerParams(needs_layout_passes=False),
        scratch_types=[
            pltpu.VMEM((NW, CB_T), jnp.float32),
            pltpu.VMEM((CB_T,), jnp.float32),
            pltpu.VMEM((16,), jnp.float32),
        ],
    )
    def body(cols_h, coltc_h, out_h, rows_v, tc_v, out_v):
        c = lax.axis_index("c")
        s = lax.axis_index("s")
        wid = c * 16 + s
        base = wid * CB_T

        pltpu.sync_copy(cols_h.at[:, pl.ds(base, CB_T)], rows_v)
        pltpu.sync_copy(coltc_h.at[pl.ds(base, CB_T)], tc_v)

        def it(jv, vsum):
            o = jv * 16
            m = tc_v[pl.ds(o, 16)]
            for r in range(NW):
                m = jnp.minimum(m, rows_v[r, pl.ds(o, 16)])
            return vsum + m

        vsum = lax.fori_loop(0, CB_T // 16, it,
                             jnp.zeros((16,), jnp.float32))
        total = jnp.sum(vsum)

        lane = lax.broadcasted_iota(jnp.int32, (16,), 0)
        out_v[...] = jnp.where(lane == 0, total, 0.0)
        pltpu.sync_copy(out_v, out_h.at[wid])

    return body(cols, coltc)


def kernel(pred, target):
    px, py, pz = pred[:, 0], pred[:, 1], pred[:, 2]
    tx, ty, tz = target[:, 0], target[:, 1], target[:, 2]
    qp = px * px + py * py + pz * pz
    qt = tx * tx + ty * ty + tz * tz

    tpad = TPAD - N
    tzp = jnp.zeros((tpad,), jnp.float32)

    def t8(a):
        return jnp.broadcast_to(a.reshape(TROWS, 1, 128), (TROWS, 8, 128))

    def s8(a):
        return jnp.broadcast_to(a.reshape(MTC // 8, 8, 1), (MTC // 8, 8, 128))

    t_x = t8(jnp.concatenate([tx, tzp]))
    t_y = t8(jnp.concatenate([ty, tzp]))
    t_z = t8(jnp.concatenate([tz, tzp]))
    t_q = t8(jnp.concatenate([qt, jnp.full((tpad,), 1e30, jnp.float32)]))
    s_x = s8(-2.0 * px[:MTC])
    s_y = s8(-2.0 * py[:MTC])
    s_z = s8(-2.0 * pz[:MTC])
    s_q = s8(qp[:MTC])

    rowsum_tc, colpart_tc = _tc_sweep(s_x, s_y, s_z, s_q, t_x, t_y, t_z, t_q)
    coltc_flat = colpart_tc.reshape(-1)

    spad = NSC_PAD - NSC
    szp = jnp.zeros((spad,), jnp.float32)
    sbp = jnp.full((spad,), 1e30, jnp.float32)
    src_x = jnp.concatenate([-2.0 * px[MTC:], szp])
    src_y = jnp.concatenate([-2.0 * py[MTC:], szp])
    src_z = jnp.concatenate([-2.0 * pz[MTC:], szp])
    src_q = jnp.concatenate([qp[MTC:], sbp])
    src_m = jnp.concatenate([jnp.ones((NSC,), jnp.float32), szp])

    rows_sc, cols_sc = _sc_sweep(src_x, src_y, src_z, src_q, src_m,
                                 tx, ty, tz, qt)
    colsums = _sc_combine(cols_sc, coltc_flat)
    return (rows_sc.sum() + rowsum_tc[0, 0] + colsums.sum()) / jnp.float32(N)

# --- scband reference (transcript-rebuilt; emitter-appended) ---
"""Pipeline reference for scband-chamfer-loss-51986284151191 (READ-ONLY COPY).

The authoritative reference and input builder live on the scoring server;
editing this copy changes nothing except your own understanding.
"""

import jax, jax.numpy as jnp
import numpy as np

CHUNK = 1024

def _chunked_min_dist(source, target, chunk_size=CHUNK):
    mins = []
    n = source.shape[0]
    for i in range(0, n, chunk_size):
        chunk = source[i:i + chunk_size]
        diff = chunk[:, None, :] - target[None, :, :]
        dist = (diff ** 2).sum(-1)
        mins.append(dist.min(axis=1))
    return jnp.concatenate(mins)


def setup_inputs(seed: int = 0) -> dict:
    key = jax.random.key(seed)
    k1, k2 = jax.random.split(key)
    pred = jax.random.normal(k1, (20000, 3), dtype=jnp.float32)
    target = jax.random.normal(k2, (20000, 3), dtype=jnp.float32)
    return {"pred": pred, "target": target}


def reference(pred, target):
    # ChamferLoss(reduction='mean')
    min_pred_to_target = _chunked_min_dist(pred, target)
    min_target_to_pred = _chunked_min_dist(target, pred)
    return min_pred_to_target.mean() + min_target_to_pred.mean()

if __name__ == "__main__":
    import jax
    _d = setup_inputs()
    print(jax.jit(kernel)(*tuple(_d.values())))

</pallas_src>

<mosaic_0001>
#map = affine_map<(d0, d1) -> (0, 0)>
#map1 = affine_map<(d0, d1) -> (0)>
module attributes {stable_mosaic.version = 14 : i64} {
  func.func @body(%arg0: i32, %arg1: i32, %arg2: memref<32x20480xf32, #tpu.memory_space<hbm>>, %arg3: memref<20480xf32, #tpu.memory_space<hbm>>, %arg4: memref<32x16xf32, #tpu.memory_space<hbm>>, %arg5: memref<32x640xf32, #tpu.memory_space<vmem>>, %arg6: memref<640xf32, #tpu.memory_space<vmem>>, %arg7: memref<16xf32, #tpu.memory_space<vmem>>) attributes {dimension_semantics = [#tpu.dimension_semantics<core_parallel>, #tpu.dimension_semantics<subcore_parallel>], iteration_bounds = array<i64: 2, 16>, scalar_prefetch = 0 : i64, scratch_operands = 3 : i64, tpu.core_type = #tpu.core_type<sc_vector_subcore>, window_params = [{transform_indices = #map}, {transform_indices = #map1}, {transform_indices = #map}]} {
    %mul3A = arith.constant 16 : i32
    %mul3A_0 = arith.muli %arg0, %mul3A : i32
    %add3A = arith.addi %mul3A_0, %arg1 : i32
    %mul3A_1 = arith.constant 640 : i32
    %mul3A_2 = arith.muli %add3A, %mul3A_1 : i32
    "tpu.region"() ({
      %run_scoped3A = tpu.sem_alloc : memref<!tpu.dma_semaphore, #tpu.memory_space<semaphore_mem>>
      %dma_start3A = arith.constant 0 : i32
      %dma_start3A_17 = tpu.memref_slice %arg2[%dma_start3A, %mul3A_2] : memref<32x20480xf32, #tpu.memory_space<hbm>> -> memref<32x640xf32, #tpu.memory_space<hbm>>
      %dma_start3A_18 = arith.constant 0 : i32
      %dma_start3A_19 = tpu.memref_slice %arg2[%dma_start3A_18, %mul3A_2] : memref<32x20480xf32, #tpu.memory_space<hbm>> -> memref<32x640xf32, #tpu.memory_space<hbm>>
      tpu.enqueue_dma source(%dma_start3A_19 : memref<32x640xf32, #tpu.memory_space<hbm>>) target(%arg5 : memref<32x640xf32, #tpu.memory_space<vmem>>) target_semaphore(%run_scoped3A : memref<!tpu.dma_semaphore, #tpu.memory_space<semaphore_mem>>)
      %dma_wait3A = arith.constant 0 : i32
      %dma_wait3A_20 = tpu.memref_slice %arg2[%dma_wait3A, %mul3A_2] : memref<32x20480xf32, #tpu.memory_space<hbm>> -> memref<32x640xf32, #tpu.memory_space<hbm>>
      %dma_wait3A_21 = arith.constant 0 : i32
      %dma_wait3A_22 = tpu.memref_slice %arg2[%dma_wait3A_21, %mul3A_2] : memref<32x20480xf32, #tpu.memory_space<hbm>> -> memref<32x640xf32, #tpu.memory_space<hbm>>
      tpu.wait_dma2 semaphore(%run_scoped3A : memref<!tpu.dma_semaphore, #tpu.memory_space<semaphore_mem>>) src(%dma_wait3A_22 : memref<32x640xf32, #tpu.memory_space<hbm>>) dst(%arg5 : memref<32x640xf32, #tpu.memory_space<vmem>>)
      tpu.yield
    }) : () -> ()
    "tpu.region"() ({
      %run_scoped3A = tpu.sem_alloc : memref<!tpu.dma_semaphore, #tpu.memory_space<semaphore_mem>>
      %dma_start3A = tpu.memref_slice %arg3[%mul3A_2] : memref<20480xf32, #tpu.memory_space<hbm>> -> memref<640xf32, #tpu.memory_space<hbm>>
      %dma_start3A_17 = tpu.memref_slice %arg3[%mul3A_2] : memref<20480xf32, #tpu.memory_space<hbm>> -> memref<640xf32, #tpu.memory_space<hbm>>
      tpu.enqueue_dma source(%dma_start3A_17 : memref<640xf32, #tpu.memory_space<hbm>>) target(%arg6 : memref<640xf32, #tpu.memory_space<vmem>>) target_semaphore(%run_scoped3A : memref<!tpu.dma_semaphore, #tpu.memory_space<semaphore_mem>>)
      %dma_wait3A = tpu.memref_slice %arg3[%mul3A_2] : memref<20480xf32, #tpu.memory_space<hbm>> -> memref<640xf32, #tpu.memory_space<hbm>>
      %dma_wait3A_18 = tpu.memref_slice %arg3[%mul3A_2] : memref<20480xf32, #tpu.memory_space<hbm>> -> memref<640xf32, #tpu.memory_space<hbm>>
      tpu.wait_dma2 semaphore(%run_scoped3A : memref<!tpu.dma_semaphore, #tpu.memory_space<semaphore_mem>>) src(%dma_wait3A_18 : memref<640xf32, #tpu.memory_space<hbm>>) dst(%arg6 : memref<640xf32, #tpu.memory_space<vmem>>)
      tpu.yield
    }) : () -> ()
    %broadcast_in_dim3A = arith.constant 0.000000e+00 : f32
    %broadcast_in_dim3A_3 = vector.broadcast %broadcast_in_dim3A : f32 to vector<16xf32>
    %scan3A = arith.constant 0 : i32
    %scan3A_4 = arith.constant 40 : i32
    %scan3A_5 = arith.addi %scan3A, %scan3A_4 : i32
    %scan3A_6 = arith.constant 1 : i32
    %scan3A_7 = scf.for %scan3A_17 = %scan3A to %scan3A_5 step %scan3A_6 iter_args(%scan3A_18 = %broadcast_in_dim3A_3) -> (vector<16xf32>)  : i32 {
      %mul3A_19 = arith.constant 16 : i32
      %mul3A_20 = arith.muli %scan3A_17, %mul3A_19 : i32
      %get3A = arith.index_cast %mul3A_20 : i32 to index
      %get3A_21 = tpu.vector_load %arg6[%get3A] {strides = array<i32>} : memref<640xf32, #tpu.memory_space<vmem>>, vector<16xf32>,
      %get3A_22 = arith.constant 0 : i32
      %get3A_23 = arith.index_cast %get3A_22 : i32 to index
      %get3A_24 = arith.index_cast %mul3A_20 : i32 to index
      %get3A_25 = tpu.vector_load %arg5[%get3A_23, %get3A_24] {strides = array<i32>} : memref<32x640xf32, #tpu.memory_space<vmem>>, vector<16xf32>,
      %min3A = arith.minimumf %get3A_21, %get3A_25 : vector<16xf32>
      %get3A_26 = arith.constant 1 : i32
      %get3A_27 = arith.index_cast %get3A_26 : i32 to index
      %get3A_28 = arith.index_cast %mul3A_20 : i32 to index
      %get3A_29 = tpu.vector_load %arg5[%get3A_27, %get3A_28] {strides = array<i32>} : memref<32x640xf32, #tpu.memory_space<vmem>>, vector<16xf32>,
      %min3A_30 = arith.minimumf %min3A, %get3A_29 : vector<16xf32>
      %get3A_31 = arith.constant 2 : i32
      %get3A_32 = arith.index_cast %get3A_31 : i32 to index
      %get3A_33 = arith.index_cast %mul3A_20 : i32 to index
      %get3A_34 = tpu.vector_load %arg5[%get3A_32, %get3A_33] {strides = array<i32>} : memref<32x640xf32, #tpu.memory_space<vmem>>, vector<16xf32>,
      %min3A_35 = arith.minimumf %min3A_30, %get3A_34 : vector<16xf32>
      %get3A_36 = arith.constant 3 : i32
      %get3A_37 = arith.index_cast %get3A_36 : i32 to index
      %get3A_38 = arith.index_cast %mul3A_20 : i32 to index
      %get3A_39 = tpu.vector_load %arg5[%get3A_37, %get3A_38] {strides = array<i32>} : memref<32x640xf32, #tpu.memory_space<vmem>>, vector<16xf32>,
      %min3A_40 = arith.minimumf %min3A_35, %get3A_39 : vector<16xf32>
      %get3A_41 = arith.constant 4 : i32
      %get3A_42 = arith.index_cast %get3A_41 : i32 to index
      %get3A_43 = arith.index_cast %mul3A_20 : i32 to index
      %get3A_44 = tpu.vector_load %arg5[%get3A_42, %get3A_43] {strides = array<i32>} : memref<32x640xf32, #tpu.memory_space<vmem>>, vector<16xf32>,
      %min3A_45 = arith.minimumf %min3A_40, %get3A_44 : vector<16xf32>
      %get3A_46 = arith.constant 5 : i32
      %get3A_47 = arith.index_cast %get3A_46 : i32 to index
      %get3A_48 = arith.index_cast %mul3A_20 : i32 to index
      %get3A_49 = tpu.vector_load %arg5[%get3A_47, %get3A_48] {strides = array<i32>} : memref<32x640xf32, #tpu.memory_space<vmem>>, vector<16xf32>,
      %min3A_50 = arith.minimumf %min3A_45, %get3A_49 : vector<16xf32>
      %get3A_51 = arith.constant 6 : i32
      %get3A_52 = arith.index_cast %get3A_51 : i32 to index
      %get3A_53 = arith.index_cast %mul3A_20 : i32 to index
      %get3A_54 = tpu.vector_load %arg5[%get3A_52, %get3A_53] {strides = array<i32>} : memref<32x640xf32, #tpu.memory_space<vmem>>, vector<16xf32>,
      %min3A_55 = arith.minimumf %min3A_50, %get3A_54 : vector<16xf32>
      %get3A_56 = arith.constant 7 : i32
      %get3A_57 = arith.index_cast %get3A_56 : i32 to index
      %get3A_58 = arith.index_cast %mul3A_20 : i32 to index
      %get3A_59 = tpu.vector_load %arg5[%get3A_57, %get3A_58] {strides = array<i32>} : memref<32x640xf32, #tpu.memory_space<vmem>>, vector<16xf32>,
      %min3A_60 = arith.minimumf %min3A_55, %get3A_59 : vector<16xf32>
      %get3A_61 = arith.constant 8 : i32
      %get3A_62 = arith.index_cast %get3A_61 : i32 to index
      %get3A_63 = arith.index_cast %mul3A_20 : i32 to index
      %get3A_64 = tpu.vector_load %arg5[%get3A_62, %get3A_63] {strides = array<i32>} : memref<32x640xf32, #tpu.memory_space<vmem>>, vector<16xf32>,
      %min3A_65 = arith.minimumf %min3A_60, %get3A_64 : vector<16xf32>
      %get3A_66 = arith.constant 9 : i32
      %get3A_67 = arith.index_cast %get3A_66 : i32 to index
      %get3A_68 = arith.index_cast %mul3A_20 : i32 to index
      %get3A_69 = tpu.vector_load %arg5[%get3A_67, %get3A_68] {strides = array<i32>} : memref<32x640xf32, #tpu.memory_space<vmem>>, vector<16xf32>,
      %min3A_70 = arith.minimumf %min3A_65, %get3A_69 : vector<16xf32>
      %get3A_71 = arith.constant 10 : i32
      %get3A_72 = arith.index_cast %get3A_71 : i32 to index
      %get3A_73 = arith.index_cast %mul3A_20 : i32 to index
      %get3A_74 = tpu.vector_load %arg5[%get3A_72, %get3A_73] {strides = array<i32>} : memref<32x640xf32, #tpu.memory_space<vmem>>, vector<16xf32>,
      %min3A_75 = arith.minimumf %min3A_70, %get3A_74 : vector<16xf32>
      %get3A_76 = arith.constant 11 : i32
      %get3A_77 = arith.index_cast %get3A_76 : i32 to index
      %get3A_78 = arith.index_cast %mul3A_20 : i32 to index
      %get3A_79 = tpu.vector_load %arg5[%get3A_77, %get3A_78] {strides = array<i32>} : memref<32x640xf32, #tpu.memory_space<vmem>>, vector<16xf32>,
      %min3A_80 = arith.minimumf %min3A_75, %get3A_79 : vector<16xf32>
      %get3A_81 = arith.constant 12 : i32
      %get3A_82 = arith.index_cast %get3A_81 : i32 to index
      %get3A_83 = arith.index_cast %mul3A_20 : i32 to index
      %get3A_84 = tpu.vector_load %arg5[%get3A_82, %get3A_83] {strides = array<i32>} : memref<32x640xf32, #tpu.memory_space<vmem>>, vector<16xf32>,
      %min3A_85 = arith.minimumf %min3A_80, %get3A_84 : vector<16xf32>
      %get3A_86 = arith.constant 13 : i32
      %get3A_87 = arith.index_cast %get3A_86 : i32 to index
      %get3A_88 = arith.index_cast %mul3A_20 : i32 to index
      %get3A_89 = tpu.vector_load %arg5[%get3A_87, %get3A_88] {strides = array<i32>} : memref<32x640xf32, #tpu.memory_space<vmem>>, vector<16xf32>,
      %min3A_90 = arith.minimumf %min3A_85, %get3A_89 : vector<16xf32>
      %get3A_91 = arith.constant 14 : i32
      %get3A_92 = arith.index_cast %get3A_91 : i32 to index
      %get3A_93 = arith.index_cast %mul3A_20 : i32 to index
      %get3A_94 = tpu.vector_load %arg5[%get3A_92, %get3A_93] {strides = array<i32>} : memref<32x640xf32, #tpu.memory_space<vmem>>, vector<16xf32>,
      %min3A_95 = arith.minimumf %min3A_90, %get3A_94 : vector<16xf32>
      %get3A_96 = arith.constant 15 : i32
      %get3A_97 = arith.index_cast %get3A_96 : i32 to index
      %get3A_98 = arith.index_cast %mul3A_20 : i32 to index
      %get3A_99 = tpu.vector_load %arg5[%get3A_97, %get3A_98] {strides = array<i32>} : memref<32x640xf32, #tpu.memory_space<vmem>>, vector<16xf32>,
      %min3A_100 = arith.minimumf %min3A_95, %get3A_99 : vector<16xf32>
      %get3A_101 = arith.constant 16 : i32
      %get3A_102 = arith.index_cast %get3A_101 : i32 to index
      %get3A_103 = arith.index_cast %mul3A_20 : i32 to index
      %get3A_104 = tpu.vector_load %arg5[%get3A_102, %get3A_103] {strides = array<i32>} : memref<32x640xf32, #tpu.memory_space<vmem>>, vector<16xf32>,
      %min3A_105 = arith.minimumf %min3A_100, %get3A_104 : vector<16xf32>
      %get3A_106 = arith.constant 17 : i32
      %get3A_107 = arith.index_cast %get3A_106 : i32 to index
      %get3A_108 = arith.index_cast %mul3A_20 : i32 to index
      %get3A_109 = tpu.vector_load %arg5[%get3A_107, %get3A_108] {strides = array<i32>} : memref<32x640xf32, #tpu.memory_space<vmem>>, vector<16xf32>,
      %min3A_110 = arith.minimumf %min3A_105, %get3A_109 : vector<16xf32>
      %get3A_111 = arith.constant 18 : i32
      %get3A_112 = arith.index_cast %get3A_111 : i32 to index
      %get3A_113 = arith.index_cast %mul3A_20 : i32 to index
      %get3A_114 = tpu.vector_load %arg5[%get3A_112, %get3A_113] {strides = array<i32>} : memref<32x640xf32, #tpu.memory_space<vmem>>, vector<16xf32>,
      %min3A_115 = arith.minimumf %min3A_110, %get3A_114 : vector<16xf32>
      %get3A_116 = arith.constant 19 : i32
      %get3A_117 = arith.index_cast %get3A_116 : i32 to index
      %get3A_118 = arith.index_cast %mul3A_20 : i32 to index
      %get3A_119 = tpu.vector_load %arg5[%get3A_117, %get3A_118] {strides = array<i32>} : memref<32x640xf32, #tpu.memory_space<vmem>>, vector<16xf32>,
      %min3A_120 = arith.minimumf %min3A_115, %get3A_119 : vector<16xf32>
      %get3A_121 = arith.constant 20 : i32
      %get3A_122 = arith.index_cast %get3A_121 : i32 to index
      %get3A_123 = arith.index_cast %mul3A_20 : i32 to index
      %get3A_124 = tpu.vector_load %arg5[%get3A_122, %get3A_123] {strides = array<i32>} : memref<32x640xf32, #tpu.memory_space<vmem>>, vector<16xf32>,
      %min3A_125 = arith.minimumf %min3A_120, %get3A_124 : vector<16xf32>
      %get3A_126 = arith.constant 21 : i32
      %get3A_127 = arith.index_cast %get3A_126 : i32 to index
      %get3A_128 = arith.index_cast %mul3A_20 : i32 to index
      %get3A_129 = tpu.vector_load %arg5[%get3A_127, %get3A_128] {strides = array<i32>} : memref<32x640xf32, #tpu.memory_space<vmem>>, vector<16xf32>,
      %min3A_130 = arith.minimumf %min3A_125, %get3A_129 : vector<16xf32>
      %get3A_131 = arith.constant 22 : i32
      %get3A_132 = arith.index_cast %get3A_131 : i32 to index
      %get3A_133 = arith.index_cast %mul3A_20 : i32 to index
      %get3A_134 = tpu.vector_load %arg5[%get3A_132, %get3A_133] {strides = array<i32>} : memref<32x640xf32, #tpu.memory_space<vmem>>, vector<16xf32>,
      %min3A_135 = arith.minimumf %min3A_130, %get3A_134 : vector<16xf32>
      %get3A_136 = arith.constant 23 : i32
      %get3A_137 = arith.index_cast %get3A_136 : i32 to index
      %get3A_138 = arith.index_cast %mul3A_20 : i32 to index
      %get3A_139 = tpu.vector_load %arg5[%get3A_137, %get3A_138] {strides = array<i32>} : memref<32x640xf32, #tpu.memory_space<vmem>>, vector<16xf32>,
      %min3A_140 = arith.minimumf %min3A_135, %get3A_139 : vector<16xf32>
      %get3A_141 = arith.constant 24 : i32
      %get3A_142 = arith.index_cast %get3A_141 : i32 to index
      %get3A_143 = arith.index_cast %mul3A_20 : i32 to index
      %get3A_144 = tpu.vector_load %arg5[%get3A_142, %get3A_143] {strides = array<i32>} : memref<32x640xf32, #tpu.memory_space<vmem>>, vector<16xf32>,
      %min3A_145 = arith.minimumf %min3A_140, %get3A_144 : vector<16xf32>
      %get3A_146 = arith.constant 25 : i32
      %get3A_147 = arith.index_cast %get3A_146 : i32 to index
      %get3A_148 = arith.index_cast %mul3A_20 : i32 to index
      %get3A_149 = tpu.vector_load %arg5[%get3A_147, %get3A_148] {strides = array<i32>} : memref<32x640xf32, #tpu.memory_space<vmem>>, vector<16xf32>,
      %min3A_150 = arith.minimumf %min3A_145, %get3A_149 : vector<16xf32>
      %get3A_151 = arith.constant 26 : i32
      %get3A_152 = arith.index_cast %get3A_151 : i32 to index
      %get3A_153 = arith.index_cast %mul3A_20 : i32 to index
      %get3A_154 = tpu.vector_load %arg5[%get3A_152, %get3A_153] {strides = array<i32>} : memref<32x640xf32, #tpu.memory_space<vmem>>, vector<16xf32>,
      %min3A_155 = arith.minimumf %min3A_150, %get3A_154 : vector<16xf32>
      %get3A_156 = arith.constant 27 : i32
      %get3A_157 = arith.index_cast %get3A_156 : i32 to index
      %get3A_158 = arith.index_cast %mul3A_20 : i32 to index
      %get3A_159 = tpu.vector_load %arg5[%get3A_157, %get3A_158] {strides = array<i32>} : memref<32x640xf32, #tpu.memory_space<vmem>>, vector<16xf32>,
      %min3A_160 = arith.minimumf %min3A_155, %get3A_159 : vector<16xf32>
      %get3A_161 = arith.constant 28 : i32
      %get3A_162 = arith.index_cast %get3A_161 : i32 to index
      %get3A_163 = arith.index_cast %mul3A_20 : i32 to index
      %get3A_164 = tpu.vector_load %arg5[%get3A_162, %get3A_163] {strides = array<i32>} : memref<32x640xf32, #tpu.memory_space<vmem>>, vector<16xf32>,
      %min3A_165 = arith.minimumf %min3A_160, %get3A_164 : vector<16xf32>
      %get3A_166 = arith.constant 29 : i32
      %get3A_167 = arith.index_cast %get3A_166 : i32 to index
      %get3A_168 = arith.index_cast %mul3A_20 : i32 to index
      %get3A_169 = tpu.vector_load %arg5[%get3A_167, %get3A_168] {strides = array<i32>} : memref<32x640xf32, #tpu.memory_space<vmem>>, vector<16xf32>,
      %min3A_170 = arith.minimumf %min3A_165, %get3A_169 : vector<16xf32>
      %get3A_171 = arith.constant 30 : i32
      %get3A_172 = arith.index_cast %get3A_171 : i32 to index
      %get3A_173 = arith.index_cast %mul3A_20 : i32 to index
      %get3A_174 = tpu.vector_load %arg5[%get3A_172, %get3A_173] {strides = array<i32>} : memref<32x640xf32, #tpu.memory_space<vmem>>, vector<16xf32>,
      %min3A_175 = arith.minimumf %min3A_170, %get3A_174 : vector<16xf32>
      %get3A_176 = arith.constant 31 : i32
      %get3A_177 = arith.index_cast %get3A_176 : i32 to index
      %get3A_178 = arith.index_cast %mul3A_20 : i32 to index
      %get3A_179 = tpu.vector_load %arg5[%get3A_177, %get3A_178] {strides = array<i32>} : memref<32x640xf32, #tpu.memory_space<vmem>>, vector<16xf32>,
      %min3A_180 = arith.minimumf %min3A_175, %get3A_179 : vector<16xf32>
      %add3A_181 = arith.addf %scan3A_18, %min3A_180 : vector<16xf32>
      scf.yield %add3A_181 : vector<16xf32>
    }
    %scan3A_8 = arith.constant 40 : i32
    %reduce_sum3A = arith.constant true
    %reduce_sum3A_9 = vector.broadcast %reduce_sum3A : i1 to vector<16xi1>
    %reduce_sum3A_10 = tpu.scan <sum>, %scan3A_7 masked %reduce_sum3A_9 : vector<16xf32>, vector<16xi1> -> vector<16xf32>
    %reduce_sum3A_11 = vector.extract %reduce_sum3A_10[15] : f32 from vector<16xf32>
    %iota3A = tpu.iota {dimensions = array<i32: 0>} : vector<16xi32>
    %eq3A = arith.constant 0 : i32
    %eq3A_12 = vector.broadcast %eq3A : i32 to vector<16xi32>
    %eq3A_13 = arith.cmpi eq, %iota3A, %eq3A_12 : vector<16xi32>
    %jit3A = arith.constant 0.000000e+00 : f32
    %broadcast_in_dim3A_14 = vector.broadcast %reduce_sum3A_11 : f32 to vector<16xf32>
    %broadcast_in_dim3A_15 = vector.broadcast %jit3A : f32 to vector<16xf32>
    %select_n3A = arith.select %eq3A_13, %broadcast_in_dim3A_14, %broadcast_in_dim3A_15 : vector<16xi1>, vector<16xf32>
    %swap3A = arith.constant 0 : index
    %swap3A_16 = tpu.vector_load %arg7[%swap3A] {strides = array<i32>} : memref<16xf32, #tpu.memory_space<vmem>>, vector<16xf32>,
    tpu.vector_store %arg7[%swap3A], %select_n3A {strides = array<i32>} : memref<16xf32, #tpu.memory_space<vmem>>, vector<16xf32>,
    "tpu.region"() ({
      %run_scoped3A = tpu.sem_alloc : memref<!tpu.dma_semaphore, #tpu.memory_space<semaphore_mem>>
      %dma_start3A = arith.constant 0 : i32
      %dma_start3A_17 = tpu.memref_slice %arg4[%add3A, %dma_start3A] : memref<32x16xf32, #tpu.memory_space<hbm>> -> memref<1x16xf32, #tpu.memory_space<hbm>>
      %dma_start3A_18 = tpu.memref_squeeze %dma_start3A_17 : memref<1x16xf32, #tpu.memory_space<hbm>> -> memref<16xf32, #tpu.memory_space<hbm>>
      %dma_start3A_19 = arith.constant 0 : i32
      %dma_start3A_20 = tpu.memref_slice %arg4[%add3A, %dma_start3A_19] : memref<32x16xf32, #tpu.memory_space<hbm>> -> memref<1x16xf32, #tpu.memory_space<hbm>>
      %dma_start3A_21 = tpu.memref_squeeze %dma_start3A_20 : memref<1x16xf32, #tpu.memory_space<hbm>> -> memref<16xf32, #tpu.memory_space<hbm>>
      tpu.enqueue_dma source(%arg7 : memref<16xf32, #tpu.memory_space<vmem>>) target(%dma_start3A_21 : memref<16xf32, #tpu.memory_space<hbm>>) target_semaphore(%run_scoped3A : memref<!tpu.dma_semaphore, #tpu.memory_space<semaphore_mem>>)
      %dma_wait3A = arith.constant 0 : i32
      %dma_wait3A_22 = tpu.memref_slice %arg4[%add3A, %dma_wait3A] : memref<32x16xf32, #tpu.memory_space<hbm>> -> memref<1x16xf32, #tpu.memory_space<hbm>>
      %dma_wait3A_23 = tpu.memref_squeeze %dma_wait3A_22 : memref<1x16xf32, #tpu.memory_space<hbm>> -> memref<16xf32, #tpu.memory_space<hbm>>
      %dma_wait3A_24 = arith.constant 0 : i32
      %dma_wait3A_25 = tpu.memref_slice %arg4[%add3A, %dma_wait3A_24] : memref<32x16xf32, #tpu.memory_space<hbm>> -> memref<1x16xf32, #tpu.memory_space<hbm>>
      %dma_wait3A_26 = tpu.memref_squeeze %dma_wait3A_25 : memref<1x16xf32, #tpu.memory_space<hbm>> -> memref<16xf32, #tpu.memory_space<hbm>>
      tpu.wait_dma2 semaphore(%run_scoped3A : memref<!tpu.dma_semaphore, #tpu.memory_space<semaphore_mem>>) src(%arg7 : memref<16xf32, #tpu.memory_space<vmem>>) dst(%dma_wait3A_26 : memref<16xf32, #tpu.memory_space<hbm>>)
      tpu.yield
    }) : () -> ()
    return
  }
}

#map = affine_map<(d0, d1) -> (0)>
#map1 = affine_map<(d0, d1) -> (0, 0)>
module attributes {stable_mosaic.version = 14 : i64} {
  func.func @body(%arg0: i32, %arg1: i32, %arg2: memref<7936xf32, #tpu.memory_space<hbm>>, %arg3: memref<7936xf32, #tpu.memory_space<hbm>>, %arg4: memref<7936xf32, #tpu.memory_space<hbm>>, %arg5: memref<7936xf32, #tpu.memory_space<hbm>>, %arg6: memref<7936xf32, #tpu.memory_space<hbm>>, %arg7: memref<20000xf32, #tpu.memory_space<hbm>>, %arg8: memref<20000xf32, #tpu.memory_space<hbm>>, %arg9: memref<20000xf32, #tpu.memory_space<hbm>>, %arg10: memref<20000xf32, #tpu.memory_space<hbm>>, %arg11: memref<32x16xf32, #tpu.memory_space<hbm>>, %arg12: memref<32x20480xf32, #tpu.memory_space<hbm>>, %arg13: memref<20000xf32, #tpu.memory_space<vmem>>, %arg14: memref<20000xf32, #tpu.memory_space<vmem>>, %arg15: memref<20000xf32, #tpu.memory_space<vmem>>, %arg16: memref<20000xf32, #tpu.memory_space<vmem>>, %arg17: memref<20480xf32, #tpu.memory_space<vmem>>, %arg18: memref<264xf32, #tpu.memory_space<vmem>>, %arg19: memref<264xf32, #tpu.memory_space<vmem>>, %arg20: memref<264xf32, #tpu.memory_space<vmem>>, %arg21: memref<264xf32, #tpu.memory_space<vmem>>, %arg22: memref<264xf32, #tpu.memory_space<vmem>>, %arg23: memref<16xf32, #tpu.memory_space<vmem>>) attributes {dimension_semantics = [#tpu.dimension_semantics<core_parallel>, #tpu.dimension_semantics<subcore_parallel>], iteration_bounds = array<i64: 2, 16>, scalar_prefetch = 0 : i64, scratch_operands = 11 : i64, tpu.core_type = #tpu.core_type<sc_vector_subcore>, window_params = [{transform_indices = #map}, {transform_indices = #map}, {transform_indices = #map}, {transform_indices = #map}, {transform_indices = #map}, {transform_indices = #map}, {transform_indices = #map}, {transform_indices = #map}, {transform_indices = #map}, {transform_indices = #map1}, {transform_indices = #map1}]} {
    %mul3A = arith.constant 16 : i32
    %mul3A_0 = arith.muli %arg0, %mul3A : i32
    %add3A = arith.addi %mul3A_0, %arg1 : i32
    %mul3A_1 = arith.constant 248 : i32
    %mul3A_2 = arith.muli %add3A, %mul3A_1 : i32
    "tpu.region"() ({
      %run_scoped3A = tpu.sem_alloc : memref<!tpu.dma_semaphore, #tpu.memory_space<semaphore_mem>>
      tpu.enqueue_dma source(%arg7 : memref<20000xf32, #tpu.memory_space<hbm>>) target(%arg13 : memref<20000xf32, #tpu.memory_space<vmem>>) target_semaphore(%run_scoped3A : memref<!tpu.dma_semaphore, #tpu.memory_space<semaphore_mem>>)
      tpu.wait_dma2 semaphore(%run_scoped3A : memref<!tpu.dma_semaphore, #tpu.memory_space<semaphore_mem>>) src(%arg7 : memref<20000xf32, #tpu.memory_space<hbm>>) dst(%arg13 : memref<20000xf32, #tpu.memory_space<vmem>>)
      tpu.yield
    }) : () -> ()
    "tpu.region"() ({
      %run_scoped3A = tpu.sem_alloc : memref<!tpu.dma_semaphore, #tpu.memory_space<semaphore_mem>>
      tpu.enqueue_dma source(%arg8 : memref<20000xf32, #tpu.memory_space<hbm>>) target(%arg14 : memref<20000xf32, #tpu.memory_space<vmem>>) target_semaphore(%run_scoped3A : memref<!tpu.dma_semaphore, #tpu.memory_space<semaphore_mem>>)
      tpu.wait_dma2 semaphore(%run_scoped3A : memref<!tpu.dma_semaphore, #tpu.memory_space<semaphore_mem>>) src(%arg8 : memref<20000xf32, #tpu.memory_space<hbm>>) dst(%arg14 : memref<20000xf32, #tpu.memory_space<vmem>>)
      tpu.yield
    }) : () -> ()
    "tpu.region"() ({
      %run_scoped3A = tpu.sem_alloc : memref<!tpu.dma_semaphore, #tpu.memory_space<semaphore_mem>>
      tpu.enqueue_dma source(%arg9 : memref<20000xf32, #tpu.memory_space<hbm>>) target(%arg15 : memref<20000xf32, #tpu.memory_space<vmem>>) target_semaphore(%run_scoped3A : memref<!tpu.dma_semaphore, #tpu.memory_space<semaphore_mem>>)
      tpu.wait_dma2 semaphore(%run_scoped3A : memref<!tpu.dma_semaphore, #tpu.memory_space<semaphore_mem>>) src(%arg9 : memref<20000xf32, #tpu.memory_space<hbm>>) dst(%arg15 : memref<20000xf32, #tpu.memory_space<vmem>>)
      tpu.yield
    }) : () -> ()
    "tpu.region"() ({
      %run_scoped3A = tpu.sem_alloc : memref<!tpu.dma_semaphore, #tpu.memory_space<semaphore_mem>>
      tpu.enqueue_dma source(%arg10 : memref<20000xf32, #tpu.memory_space<hbm>>) target(%arg16 : memref<20000xf32, #tpu.memory_space<vmem>>) target_semaphore(%run_scoped3A : memref<!tpu.dma_semaphore, #tpu.memory_space<semaphore_mem>>)
      tpu.wait_dma2 semaphore(%run_scoped3A : memref<!tpu.dma_semaphore, #tpu.memory_space<semaphore_mem>>) src(%arg10 : memref<20000xf32, #tpu.memory_space<hbm>>) dst(%arg16 : memref<20000xf32, #tpu.memory_space<vmem>>)
      tpu.yield
    }) : () -> ()
    "tpu.region"() ({
      %run_scoped3A = tpu.sem_alloc : memref<!tpu.dma_semaphore, #tpu.memory_space<semaphore_mem>>
      %dma_start3A = arith.constant 0 : i32
      %dma_start3A_29 = tpu.memref_slice %arg18[%dma_start3A] : memref<264xf32, #tpu.memory_space<vmem>> -> memref<248xf32, #tpu.memory_space<vmem>>
      %dma_start3A_30 = tpu.memref_slice %arg2[%mul3A_2] : memref<7936xf32, #tpu.memory_space<hbm>> -> memref<248xf32, #tpu.memory_space<hbm>>
      %dma_start3A_31 = arith.constant 0 : i32
      %dma_start3A_32 = tpu.memref_slice %arg18[%dma_start3A_31] : memref<264xf32, #tpu.memory_space<vmem>> -> memref<248xf32, #tpu.memory_space<vmem>>
      %dma_start3A_33 = tpu.memref_slice %arg2[%mul3A_2] : memref<7936xf32, #tpu.memory_space<hbm>> -> memref<248xf32, #tpu.memory_space<hbm>>
      tpu.enqueue_dma source(%dma_start3A_33 : memref<248xf32, #tpu.memory_space<hbm>>) target(%dma_start3A_32 : memref<248xf32, #tpu.memory_space<vmem>>) target_semaphore(%run_scoped3A : memref<!tpu.dma_semaphore, #tpu.memory_space<semaphore_mem>>)
      %dma_wait3A = arith.constant 0 : i32
      %dma_wait3A_34 = tpu.memref_slice %arg18[%dma_wait3A] : memref<264xf32, #tpu.memory_space<vmem>> -> memref<248xf32, #tpu.memory_space<vmem>>
      %dma_wait3A_35 = tpu.memref_slice %arg2[%mul3A_2] : memref<7936xf32, #tpu.memory_space<hbm>> -> memref<248xf32, #tpu.memory_space<hbm>>
      %dma_wait3A_36 = arith.constant 0 : i32
      %dma_wait3A_37 = tpu.memref_slice %arg18[%dma_wait3A_36] : memref<264xf32, #tpu.memory_space<vmem>> -> memref<248xf32, #tpu.memory_space<vmem>>
      %dma_wait3A_38 = tpu.memref_slice %arg2[%mul3A_2] : memref<7936xf32, #tpu.memory_space<hbm>> -> memref<248xf32, #tpu.memory_space<hbm>>
      tpu.wait_dma2 semaphore(%run_scoped3A : memref<!tpu.dma_semaphore, #tpu.memory_space<semaphore_mem>>) src(%dma_wait3A_38 : memref<248xf32, #tpu.memory_space<hbm>>) dst(%dma_wait3A_37 : memref<248xf32, #tpu.memory_space<vmem>>)
      tpu.yield
    }) : () -> ()
    "tpu.region"() ({
      %run_scoped3A = tpu.sem_alloc : memref<!tpu.dma_semaphore, #tpu.memory_space<semaphore_mem>>
      %dma_start3A = arith.constant 0 : i32
      %dma_start3A_29 = tpu.memref_slice %arg19[%dma_start3A] : memref<264xf32, #tpu.memory_space<vmem>> -> memref<248xf32, #tpu.memory_space<vmem>>
      %dma_start3A_30 = tpu.memref_slice %arg3[%mul3A_2] : memref<7936xf32, #tpu.memory_space<hbm>> -> memref<248xf32, #tpu.memory_space<hbm>>
      %dma_start3A_31 = arith.constant 0 : i32
      %dma_start3A_32 = tpu.memref_slice %arg19[%dma_start3A_31] : memref<264xf32, #tpu.memory_space<vmem>> -> memref<248xf32, #tpu.memory_space<vmem>>
      %dma_start3A_33 = tpu.memref_slice %arg3[%mul3A_2] : memref<7936xf32, #tpu.memory_space<hbm>> -> memref<248xf32, #tpu.memory_space<hbm>>
      tpu.enqueue_dma source(%dma_start3A_33 : memref<248xf32, #tpu.memory_space<hbm>>) target(%dma_start3A_32 : memref<248xf32, #tpu.memory_space<vmem>>) target_semaphore(%run_scoped3A : memref<!tpu.dma_semaphore, #tpu.memory_space<semaphore_mem>>)
      %dma_wait3A = arith.constant 0 : i32
      %dma_wait3A_34 = tpu.memref_slice %arg19[%dma_wait3A] : memref<264xf32, #tpu.memory_space<vmem>> -> memref<248xf32, #tpu.memory_space<vmem>>
      %dma_wait3A_35 = tpu.memref_slice %arg3[%mul3A_2] : memref<7936xf32, #tpu.memory_space<hbm>> -> memref<248xf32, #tpu.memory_space<hbm>>
      %dma_wait3A_36 = arith.constant 0 : i32
      %dma_wait3A_37 = tpu.memref_slice %arg19[%dma_wait3A_36] : memref<264xf32, #tpu.memory_space<vmem>> -> memref<248xf32, #tpu.memory_space<vmem>>
      %dma_wait3A_38 = tpu.memref_slice %arg3[%mul3A_2] : memref<7936xf32, #tpu.memory_space<hbm>> -> memref<248xf32, #tpu.memory_space<hbm>>
      tpu.wait_dma2 semaphore(%run_scoped3A : memref<!tpu.dma_semaphore, #tpu.memory_space<semaphore_mem>>) src(%dma_wait3A_38 : memref<248xf32, #tpu.memory_space<hbm>>) dst(%dma_wait3A_37 : memref<248xf32, #tpu.memory_space<vmem>>)
      tpu.yield
    }) : () -> ()
    "tpu.region"() ({
      %run_scoped3A = tpu.sem_alloc : memref<!tpu.dma_semaphore, #tpu.memory_space<semaphore_mem>>
      %dma_start3A = arith.constant 0 : i32
      %dma_start3A_29 = tpu.memref_slice %arg20[%dma_start3A] : memref<264xf32, #tpu.memory_space<vmem>> -> memref<248xf32, #tpu.memory_space<vmem>>
      %dma_start3A_30 = tpu.memref_slice %arg4[%mul3A_2] : memref<7936xf32, #tpu.memory_space<hbm>> -> memref<248xf32, #tpu.memory_space<hbm>>
      %dma_start3A_31 = arith.constant 0 : i32
      %dma_start3A_32 = tpu.memref_slice %arg20[%dma_start3A_31] : memref<264xf32, #tpu.memory_space<vmem>> -> memref<248xf32, #tpu.memory_space<vmem>>
      %dma_start3A_33 = tpu.memref_slice %arg4[%mul3A_2] : memref<7936xf32, #tpu.memory_space<hbm>> -> memref<248xf32, #tpu.memory_space<hbm>>
      tpu.enqueue_dma source(%dma_start3A_33 : memref<248xf32, #tpu.memory_space<hbm>>) target(%dma_start3A_32 : memref<248xf32, #tpu.memory_space<vmem>>) target_semaphore(%run_scoped3A : memref<!tpu.dma_semaphore, #tpu.memory_space<semaphore_mem>>)
      %dma_wait3A = arith.constant 0 : i32
      %dma_wait3A_34 = tpu.memref_slice %arg20[%dma_wait3A] : memref<264xf32, #tpu.memory_space<vmem>> -> memref<248xf32, #tpu.memory_space<vmem>>
      %dma_wait3A_35 = tpu.memref_slice %arg4[%mul3A_2] : memref<7936xf32, #tpu.memory_space<hbm>> -> memref<248xf32, #tpu.memory_space<hbm>>
      %dma_wait3A_36 = arith.constant 0 : i32
      %dma_wait3A_37 = tpu.memref_slice %arg20[%dma_wait3A_36] : memref<264xf32, #tpu.memory_space<vmem>> -> memref<248xf32, #tpu.memory_space<vmem>>
      %dma_wait3A_38 = tpu.memref_slice %arg4[%mul3A_2] : memref<7936xf32, #tpu.memory_space<hbm>> -> memref<248xf32, #tpu.memory_space<hbm>>
      tpu.wait_dma2 semaphore(%run_scoped3A : memref<!tpu.dma_semaphore, #tpu.memory_space<semaphore_mem>>) src(%dma_wait3A_38 : memref<248xf32, #tpu.memory_space<hbm>>) dst(%dma_wait3A_37 : memref<248xf32, #tpu.memory_space<vmem>>)
      tpu.yield
    }) : () -> ()
    "tpu.region"() ({
      %run_scoped3A = tpu.sem_alloc : memref<!tpu.dma_semaphore, #tpu.memory_space<semaphore_mem>>
      %dma_start3A = arith.constant 0 : i32
      %dma_start3A_29 = tpu.memref_slice %arg21[%dma_start3A] : memref<264xf32, #tpu.memory_space<vmem>> -> memref<248xf32, #tpu.memory_space<vmem>>
      %dma_start3A_30 = tpu.memref_slice %arg5[%mul3A_2] : memref<7936xf32, #tpu.memory_space<hbm>> -> memref<248xf32, #tpu.memory_space<hbm>>
      %dma_start3A_31 = arith.constant 0 : i32
      %dma_start3A_32 = tpu.memref_slice %arg21[%dma_start3A_31] : memref<264xf32, #tpu.memory_space<vmem>> -> memref<248xf32, #tpu.memory_space<vmem>>
      %dma_start3A_33 = tpu.memref_slice %arg5[%mul3A_2] : memref<7936xf32, #tpu.memory_space<hbm>> -> memref<248xf32, #tpu.memory_space<hbm>>
      tpu.enqueue_dma source(%dma_start3A_33 : memref<248xf32, #tpu.memory_space<hbm>>) target(%dma_start3A_32 : memref<248xf32, #tpu.memory_space<vmem>>) target_semaphore(%run_scoped3A : memref<!tpu.dma_semaphore, #tpu.memory_space<semaphore_mem>>)
      %dma_wait3A = arith.constant 0 : i32
      %dma_wait3A_34 = tpu.memref_slice %arg21[%dma_wait3A] : memref<264xf32, #tpu.memory_space<vmem>> -> memref<248xf32, #tpu.memory_space<vmem>>
      %dma_wait3A_35 = tpu.memref_slice %arg5[%mul3A_2] : memref<7936xf32, #tpu.memory_space<hbm>> -> memref<248xf32, #tpu.memory_space<hbm>>
      %dma_wait3A_36 = arith.constant 0 : i32
      %dma_wait3A_37 = tpu.memref_slice %arg21[%dma_wait3A_36] : memref<264xf32, #tpu.memory_space<vmem>> -> memref<248xf32, #tpu.memory_space<vmem>>
      %dma_wait3A_38 = tpu.memref_slice %arg5[%mul3A_2] : memref<7936xf32, #tpu.memory_space<hbm>> -> memref<248xf32, #tpu.memory_space<hbm>>
      tpu.wait_dma2 semaphore(%run_scoped3A : memref<!tpu.dma_semaphore, #tpu.memory_space<semaphore_mem>>) src(%dma_wait3A_38 : memref<248xf32, #tpu.memory_space<hbm>>) dst(%dma_wait3A_37 : memref<248xf32, #tpu.memory_space<vmem>>)
      tpu.yield
    }) : () -> ()
    "tpu.region"() ({
      %run_scoped3A = tpu.sem_alloc : memref<!tpu.dma_semaphore, #tpu.memory_space<semaphore_mem>>
      %dma_start3A = arith.constant 0 : i32
      %dma_start3A_29 = tpu.memref_slice %arg22[%dma_start3A] : memref<264xf32, #tpu.memory_space<vmem>> -> memref<248xf32, #tpu.memory_space<vmem>>
      %dma_start3A_30 = tpu.memref_slice %arg6[%mul3A_2] : memref<7936xf32, #tpu.memory_space<hbm>> -> memref<248xf32, #tpu.memory_space<hbm>>
      %dma_start3A_31 = arith.constant 0 : i32
      %dma_start3A_32 = tpu.memref_slice %arg22[%dma_start3A_31] : memref<264xf32, #tpu.memory_space<vmem>> -> memref<248xf32, #tpu.memory_space<vmem>>
      %dma_start3A_33 = tpu.memref_slice %arg6[%mul3A_2] : memref<7936xf32, #tpu.memory_space<hbm>> -> memref<248xf32, #tpu.memory_space<hbm>>
      tpu.enqueue_dma source(%dma_start3A_33 : memref<248xf32, #tpu.memory_space<hbm>>) target(%dma_start3A_32 : memref<248xf32, #tpu.memory_space<vmem>>) target_semaphore(%run_scoped3A : memref<!tpu.dma_semaphore, #tpu.memory_space<semaphore_mem>>)
      %dma_wait3A = arith.constant 0 : i32
      %dma_wait3A_34 = tpu.memref_slice %arg22[%dma_wait3A] : memref<264xf32, #tpu.memory_space<vmem>> -> memref<248xf32, #tpu.memory_space<vmem>>
      %dma_wait3A_35 = tpu.memref_slice %arg6[%mul3A_2] : memref<7936xf32, #tpu.memory_space<hbm>> -> memref<248xf32, #tpu.memory_space<hbm>>
      %dma_wait3A_36 = arith.constant 0 : i32
      %dma_wait3A_37 = tpu.memref_slice %arg22[%dma_wait3A_36] : memref<264xf32, #tpu.memory_space<vmem>> -> memref<248xf32, #tpu.memory_space<vmem>>
      %dma_wait3A_38 = tpu.memref_slice %arg6[%mul3A_2] : memref<7936xf32, #tpu.memory_space<hbm>> -> memref<248xf32, #tpu.memory_space<hbm>>
      tpu.wait_dma2 semaphore(%run_scoped3A : memref<!tpu.dma_semaphore, #tpu.memory_space<semaphore_mem>>) src(%dma_wait3A_38 : memref<248xf32, #tpu.memory_space<hbm>>) dst(%dma_wait3A_37 : memref<248xf32, #tpu.memory_space<vmem>>)
      tpu.yield
    }) : () -> ()
    %broadcast_in_dim3A = arith.constant 3.000000e+38 : f32
    %broadcast_in_dim3A_3 = vector.broadcast %broadcast_in_dim3A : f32 to vector<16xf32>
    %scan3A = arith.constant 0.000000e+00 : f32
    %scan3A_4 = arith.constant 0 : i32
    %scan3A_5 = arith.constant 1250 : i32
    %scan3A_6 = arith.addi %scan3A_4, %scan3A_5 : i32
    %scan3A_7 = arith.constant 1 : i32
    scf.for %scan3A_29 = %scan3A_4 to %scan3A_6 step %scan3A_7  : i32 {
      %mul3A_30 = arith.constant 16 : i32
      %mul3A_31 = arith.muli %scan3A_29, %mul3A_30 : i32
      %swap3A_32 = arith.index_cast %mul3A_31 : i32 to index
      %swap3A_33 = tpu.vector_load %arg17[%swap3A_32] {strides = array<i32>} : memref<20480xf32, #tpu.memory_space<vmem>>, vector<16xf32>,
      tpu.vector_store %arg17[%swap3A_32], %broadcast_in_dim3A_3 {strides = array<i32>} : memref<20480xf32, #tpu.memory_space<vmem>>, vector<16xf32>,
    }
    %scan3A_8 = arith.constant 1250 : i32
    %broadcast_in_dim3A_9 = arith.constant 0.000000e+00 : f32
    %broadcast_in_dim3A_10 = vector.broadcast %broadcast_in_dim3A_9 : f32 to vector<16xf32>
    %scan3A_11 = arith.constant 0.000000e+00 : f32
    %scan3A_12 = arith.constant 0 : i32
    %scan3A_13 = arith.constant 30 : i32
    %scan3A_14 = arith.addi %scan3A_12, %scan3A_13 : i32
    %scan3A_15 = arith.constant 1 : i32
    scf.for %scan3A_29 = %scan3A_12 to %scan3A_14 step %scan3A_15  : i32 {
      %mul3A_30 = arith.constant 16 : i32
      %mul3A_31 = arith.muli %scan3A_29, %mul3A_30 : i32
      %add3A_32 = arith.constant 20000 : i32
      %add3A_33 = arith.addi %add3A_32, %mul3A_31 : i32
      %swap3A_34 = arith.index_cast %add3A_33 : i32 to index
      %swap3A_35 = tpu.vector_load %arg17[%swap3A_34] {strides = array<i32>} : memref<20480xf32, #tpu.memory_space<vmem>>, vector<16xf32>,
      tpu.vector_store %arg17[%swap3A_34], %broadcast_in_dim3A_10 {strides = array<i32>} : memref<20480xf32, #tpu.memory_space<vmem>>, vector<16xf32>,
    }
    %scan3A_16 = arith.constant 30 : i32
    %scan3A_17 = arith.constant 0.000000e+00 : f32
    %scan3A_18 = arith.constant 0 : i32
    %scan3A_19 = arith.constant 31 : i32
    %scan3A_20 = arith.addi %scan3A_18, %scan3A_19 : i32
    %scan3A_21 = arith.constant 1 : i32
    %scan3A_22 = scf.for %scan3A_29 = %scan3A_18 to %scan3A_20 step %scan3A_21 iter_args(%scan3A_30 = %scan3A_17) -> (f32)  : i32 {
      %mul3A_31 = arith.constant 8 : i32
      %mul3A_32 = arith.muli %scan3A_29, %mul3A_31 : i32
      %get3A = arith.index_cast %mul3A_32 : i32 to index
      %get3A_33 = tpu.vector_load %arg18[%get3A] {strides = array<i32>} : memref<264xf32, #tpu.memory_space<vmem>>, vector<16xf32>,
      %get3A_34 = arith.index_cast %mul3A_32 : i32 to index
      %get3A_35 = tpu.vector_load %arg19[%get3A_34] {strides = array<i32>} : memref<264xf32, #tpu.memory_space<vmem>>, vector<16xf32>,
      %get3A_36 = arith.index_cast %mul3A_32 : i32 to index
      %get3A_37 = tpu.vector_load %arg20[%get3A_36] {strides = array<i32>} : memref<264xf32, #tpu.memory_space<vmem>>, vector<16xf32>,
      %get3A_38 = arith.index_cast %mul3A_32 : i32 to index
      %get3A_39 = tpu.vector_load %arg21[%get3A_38] {strides = array<i32>} : memref<264xf32, #tpu.memory_space<vmem>>, vector<16xf32>,
      %slice3A = vector.extract_strided_slice %get3A_33 {offsets = [0], sizes = [1], strides = [1]} : vector<16xf32> to vector<1xf32>
      %squeeze3A = vector.extract %slice3A[0] : f32 from vector<1xf32>
      %broadcast_in_dim3A_40 = vector.broadcast %squeeze3A : f32 to vector<16xf32>
      %slice3A_41 = vector.extract_strided_slice %get3A_35 {offsets = [0], sizes = [1], strides = [1]} : vector<16xf32> to vector<1xf32>
      %squeeze3A_42 = vector.extract %slice3A_41[0] : f32 from vector<1xf32>
      %broadcast_in_dim3A_43 = vector.broadcast %squeeze3A_42 : f32 to vector<16xf32>
      %slice3A_44 = vector.extract_strided_slice %get3A_37 {offsets = [0], sizes = [1], strides = [1]} : vector<16xf32> to vector<1xf32>
      %squeeze3A_45 = vector.extract %slice3A_44[0] : f32 from vector<1xf32>
      %broadcast_in_dim3A_46 = vector.broadcast %squeeze3A_45 : f32 to vector<16xf32>
      %slice3A_47 = vector.extract_strided_slice %get3A_39 {offsets = [0], sizes = [1], strides = [1]} : vector<16xf32> to vector<1xf32>
      %squeeze3A_48 = vector.extract %slice3A_47[0] : f32 from vector<1xf32>
      %broadcast_in_dim3A_49 = vector.broadcast %squeeze3A_48 : f32 to vector<16xf32>
      %slice3A_50 = vector.extract_strided_slice %get3A_33 {offsets = [1], sizes = [1], strides = [1]} : vector<16xf32> to vector<1xf32>
      %squeeze3A_51 = vector.extract %slice3A_50[0] : f32 from vector<1xf32>
      %broadcast_in_dim3A_52 = vector.broadcast %squeeze3A_51 : f32 to vector<16xf32>
      %slice3A_53 = vector.extract_strided_slice %get3A_35 {offsets = [1], sizes = [1], strides = [1]} : vector<16xf32> to vector<1xf32>
      %squeeze3A_54 = vector.extract %slice3A_53[0] : f32 from vector<1xf32>
      %broadcast_in_dim3A_55 = vector.broadcast %squeeze3A_54 : f32 to vector<16xf32>
      %slice3A_56 = vector.extract_strided_slice %get3A_37 {offsets = [1], sizes = [1], strides = [1]} : vector<16xf32> to vector<1xf32>
      %squeeze3A_57 = vector.extract %slice3A_56[0] : f32 from vector<1xf32>
      %broadcast_in_dim3A_58 = vector.broadcast %squeeze3A_57 : f32 to vector<16xf32>
      %slice3A_59 = vector.extract_strided_slice %get3A_39 {offsets = [1], sizes = [1], strides = [1]} : vector<16xf32> to vector<1xf32>
      %squeeze3A_60 = vector.extract %slice3A_59[0] : f32 from vector<1xf32>
      %broadcast_in_dim3A_61 = vector.broadcast %squeeze3A_60 : f32 to vector<16xf32>
      %slice3A_62 = vector.extract_strided_slice %get3A_33 {offsets = [2], sizes = [1], strides = [1]} : vector<16xf32> to vector<1xf32>
      %squeeze3A_63 = vector.extract %slice3A_62[0] : f32 from vector<1xf32>
      %broadcast_in_dim3A_64 = vector.broadcast %squeeze3A_63 : f32 to vector<16xf32>
      %slice3A_65 = vector.extract_strided_slice %get3A_35 {offsets = [2], sizes = [1], strides = [1]} : vector<16xf32> to vector<1xf32>
      %squeeze3A_66 = vector.extract %slice3A_65[0] : f32 from vector<1xf32>
      %broadcast_in_dim3A_67 = vector.broadcast %squeeze3A_66 : f32 to vector<16xf32>
      %slice3A_68 = vector.extract_strided_slice %get3A_37 {offsets = [2], sizes = [1], strides = [1]} : vector<16xf32> to vector<1xf32>
      %squeeze3A_69 = vector.extract %slice3A_68[0] : f32 from vector<1xf32>
      %broadcast_in_dim3A_70 = vector.broadcast %squeeze3A_69 : f32 to vector<16xf32>
      %slice3A_71 = vector.extract_strided_slice %get3A_39 {offsets = [2], sizes = [1], strides = [1]} : vector<16xf32> to vector<1xf32>
      %squeeze3A_72 = vector.extract %slice3A_71[0] : f32 from vector<1xf32>
      %broadcast_in_dim3A_73 = vector.broadcast %squeeze3A_72 : f32 to vector<16xf32>
      %slice3A_74 = vector.extract_strided_slice %get3A_33 {offsets = [3], sizes = [1], strides = [1]} : vector<16xf32> to vector<1xf32>
      %squeeze3A_75 = vector.extract %slice3A_74[0] : f32 from vector<1xf32>
      %broadcast_in_dim3A_76 = vector.broadcast %squeeze3A_75 : f32 to vector<16xf32>
      %slice3A_77 = vector.extract_strided_slice %get3A_35 {offsets = [3], sizes = [1], strides = [1]} : vector<16xf32> to vector<1xf32>
      %squeeze3A_78 = vector.extract %slice3A_77[0] : f32 from vector<1xf32>
      %broadcast_in_dim3A_79 = vector.broadcast %squeeze3A_78 : f32 to vector<16xf32>
      %slice3A_80 = vector.extract_strided_slice %get3A_37 {offsets = [3], sizes = [1], strides = [1]} : vector<16xf32> to vector<1xf32>
      %squeeze3A_81 = vector.extract %slice3A_80[0] : f32 from vector<1xf32>
      %broadcast_in_dim3A_82 = vector.broadcast %squeeze3A_81 : f32 to vector<16xf32>
      %slice3A_83 = vector.extract_strided_slice %get3A_39 {offsets = [3], sizes = [1], strides = [1]} : vector<16xf32> to vector<1xf32>
      %squeeze3A_84 = vector.extract %slice3A_83[0] : f32 from vector<1xf32>
      %broadcast_in_dim3A_85 = vector.broadcast %squeeze3A_84 : f32 to vector<16xf32>
      %slice3A_86 = vector.extract_strided_slice %get3A_33 {offsets = [4], sizes = [1], strides = [1]} : vector<16xf32> to vector<1xf32>
      %squeeze3A_87 = vector.extract %slice3A_86[0] : f32 from vector<1xf32>
      %broadcast_in_dim3A_88 = vector.broadcast %squeeze3A_87 : f32 to vector<16xf32>
      %slice3A_89 = vector.extract_strided_slice %get3A_35 {offsets = [4], sizes = [1], strides = [1]} : vector<16xf32> to vector<1xf32>
      %squeeze3A_90 = vector.extract %slice3A_89[0] : f32 from vector<1xf32>
      %broadcast_in_dim3A_91 = vector.broadcast %squeeze3A_90 : f32 to vector<16xf32>
      %slice3A_92 = vector.extract_strided_slice %get3A_37 {offsets = [4], sizes = [1], strides = [1]} : vector<16xf32> to vector<1xf32>
      %squeeze3A_93 = vector.extract %slice3A_92[0] : f32 from vector<1xf32>
      %broadcast_in_dim3A_94 = vector.broadcast %squeeze3A_93 : f32 to vector<16xf32>
      %slice3A_95 = vector.extract_strided_slice %get3A_39 {offsets = [4], sizes = [1], strides = [1]} : vector<16xf32> to vector<1xf32>
      %squeeze3A_96 = vector.extract %slice3A_95[0] : f32 from vector<1xf32>
      %broadcast_in_dim3A_97 = vector.broadcast %squeeze3A_96 : f32 to vector<16xf32>
      %slice3A_98 = vector.extract_strided_slice %get3A_33 {offsets = [5], sizes = [1], strides = [1]} : vector<16xf32> to vector<1xf32>
      %squeeze3A_99 = vector.extract %slice3A_98[0] : f32 from vector<1xf32>
      %broadcast_in_dim3A_100 = vector.broadcast %squeeze3A_99 : f32 to vector<16xf32>
      %slice3A_101 = vector.extract_strided_slice %get3A_35 {offsets = [5], sizes = [1], strides = [1]} : vector<16xf32> to vector<1xf32>
      %squeeze3A_102 = vector.extract %slice3A_101[0] : f32 from vector<1xf32>
      %broadcast_in_dim3A_103 = vector.broadcast %squeeze3A_102 : f32 to vector<16xf32>
      %slice3A_104 = vector.extract_strided_slice %get3A_37 {offsets = [5], sizes = [1], strides = [1]} : vector<16xf32> to vector<1xf32>
      %squeeze3A_105 = vector.extract %slice3A_104[0] : f32 from vector<1xf32>
      %broadcast_in_dim3A_106 = vector.broadcast %squeeze3A_105 : f32 to vector<16xf32>
      %slice3A_107 = vector.extract_strided_slice %get3A_39 {offsets = [5], sizes = [1], strides = [1]} : vector<16xf32> to vector<1xf32>
      %squeeze3A_108 = vector.extract %slice3A_107[0] : f32 from vector<1xf32>
      %broadcast_in_dim3A_109 = vector.broadcast %squeeze3A_108 : f32 to vector<16xf32>
      %slice3A_110 = vector.extract_strided_slice %get3A_33 {offsets = [6], sizes = [1], strides = [1]} : vector<16xf32> to vector<1xf32>
      %squeeze3A_111 = vector.extract %slice3A_110[0] : f32 from vector<1xf32>
      %broadcast_in_dim3A_112 = vector.broadcast %squeeze3A_111 : f32 to vector<16xf32>
      %slice3A_113 = vector.extract_strided_slice %get3A_35 {offsets = [6], sizes = [1], strides = [1]} : vector<16xf32> to vector<1xf32>
      %squeeze3A_114 = vector.extract %slice3A_113[0] : f32 from vector<1xf32>
      %broadcast_in_dim3A_115 = vector.broadcast %squeeze3A_114 : f32 to vector<16xf32>
      %slice3A_116 = vector.extract_strided_slice %get3A_37 {offsets = [6], sizes = [1], strides = [1]} : vector<16xf32> to vector<1xf32>
      %squeeze3A_117 = vector.extract %slice3A_116[0] : f32 from vector<1xf32>
      %broadcast_in_dim3A_118 = vector.broadcast %squeeze3A_117 : f32 to vector<16xf32>
      %slice3A_119 = vector.extract_strided_slice %get3A_39 {offsets = [6], sizes = [1], strides = [1]} : vector<16xf32> to vector<1xf32>
      %squeeze3A_120 = vector.extract %slice3A_119[0] : f32 from vector<1xf32>
      %broadcast_in_dim3A_121 = vector.broadcast %squeeze3A_120 : f32 to vector<16xf32>
      %slice3A_122 = vector.extract_strided_slice %get3A_33 {offsets = [7], sizes = [1], strides = [1]} : vector<16xf32> to vector<1xf32>
      %squeeze3A_123 = vector.extract %slice3A_122[0] : f32 from vector<1xf32>
      %broadcast_in_dim3A_124 = vector.broadcast %squeeze3A_123 : f32 to vector<16xf32>
      %slice3A_125 = vector.extract_strided_slice %get3A_35 {offsets = [7], sizes = [1], strides = [1]} : vector<16xf32> to vector<1xf32>
      %squeeze3A_126 = vector.extract %slice3A_125[0] : f32 from vector<1xf32>
      %broadcast_in_dim3A_127 = vector.broadcast %squeeze3A_126 : f32 to vector<16xf32>
      %slice3A_128 = vector.extract_strided_slice %get3A_37 {offsets = [7], sizes = [1], strides = [1]} : vector<16xf32> to vector<1xf32>
      %squeeze3A_129 = vector.extract %slice3A_128[0] : f32 from vector<1xf32>
      %broadcast_in_dim3A_130 = vector.broadcast %squeeze3A_129 : f32 to vector<16xf32>
      %slice3A_131 = vector.extract_strided_slice %get3A_39 {offsets = [7], sizes = [1], strides = [1]} : vector<16xf32> to vector<1xf32>
      %squeeze3A_132 = vector.extract %slice3A_131[0] : f32 from vector<1xf32>
      %broadcast_in_dim3A_133 = vector.broadcast %squeeze3A_132 : f32 to vector<16xf32>
      %scan3A_134 = arith.constant 0 : i32
      %scan3A_135 = arith.constant 625 : i32
      %scan3A_136 = arith.addi %scan3A_134, %scan3A_135 : i32
      %scan3A_137 = arith.constant 1 : i32
      %scan3A_138:8 = scf.for %scan3A_229 = %scan3A_134 to %scan3A_136 step %scan3A_137 iter_args(%scan3A_230 = %broadcast_in_dim3A_3, %scan3A_231 = %broadcast_in_dim3A_3, %scan3A_232 = %broadcast_in_dim3A_3, %scan3A_233 = %broadcast_in_dim3A_3, %scan3A_234 = %broadcast_in_dim3A_3, %scan3A_235 = %broadcast_in_dim3A_3, %scan3A_236 = %broadcast_in_dim3A_3, %scan3A_237 = %broadcast_in_dim3A_3) -> (vector<16xf32>, vector<16xf32>, vector<16xf32>, vector<16xf32>, vector<16xf32>, vector<16xf32>, vector<16xf32>, vector<16xf32>)  : i32 {
        %mul3A_238 = arith.constant 32 : i32
        %mul3A_239 = arith.muli %scan3A_229, %mul3A_238 : i32
        %add3A_240 = arith.constant 0 : i32
        %add3A_241 = arith.addi %mul3A_239, %add3A_240 : i32
        %get3A_242 = arith.index_cast %add3A_241 : i32 to index
        %get3A_243 = tpu.vector_load %arg13[%get3A_242] {strides = array<i32>} : memref<20000xf32, #tpu.memory_space<vmem>>, vector<16xf32>,
        %get3A_244 = arith.index_cast %add3A_241 : i32 to index
        %get3A_245 = tpu.vector_load %arg14[%get3A_244] {strides = array<i32>} : memref<20000xf32, #tpu.memory_space<vmem>>, vector<16xf32>,
        %get3A_246 = arith.index_cast %add3A_241 : i32 to index
        %get3A_247 = tpu.vector_load %arg15[%get3A_246] {strides = array<i32>} : memref<20000xf32, #tpu.memory_space<vmem>>, vector<16xf32>,
        %get3A_248 = arith.index_cast %add3A_241 : i32 to index
        %get3A_249 = tpu.vector_load %arg16[%get3A_248] {strides = array<i32>} : memref<20000xf32, #tpu.memory_space<vmem>>, vector<16xf32>,
        %mul3A_250 = arith.mulf %broadcast_in_dim3A_40, %get3A_243 : vector<16xf32>
        %add3A_251 = arith.addf %get3A_249, %mul3A_250 : vector<16xf32>
        %mul3A_252 = arith.mulf %broadcast_in_dim3A_43, %get3A_245 : vector<16xf32>
        %add3A_253 = arith.addf %add3A_251, %mul3A_252 : vector<16xf32>
        %mul3A_254 = arith.mulf %broadcast_in_dim3A_46, %get3A_247 : vector<16xf32>
        %add3A_255 = arith.addf %add3A_253, %mul3A_254 : vector<16xf32>
        %min3A = arith.minimumf %scan3A_230, %add3A_255 : vector<16xf32>
        %add3A_256 = arith.addf %add3A_255, %broadcast_in_dim3A_49 : vector<16xf32>
        %mul3A_257 = arith.mulf %broadcast_in_dim3A_52, %get3A_243 : vector<16xf32>
        %add3A_258 = arith.addf %get3A_249, %mul3A_257 : vector<16xf32>
        %mul3A_259 = arith.mulf %broadcast_in_dim3A_55, %get3A_245 : vector<16xf32>
        %add3A_260 = arith.addf %add3A_258, %mul3A_259 : vector<16xf32>
        %mul3A_261 = arith.mulf %broadcast_in_dim3A_58, %get3A_247 : vector<16xf32>
        %add3A_262 = arith.addf %add3A_260, %mul3A_261 : vector<16xf32>
        %min3A_263 = arith.minimumf %scan3A_231, %add3A_262 : vector<16xf32>
        %add3A_264 = arith.addf %add3A_262, %broadcast_in_dim3A_61 : vector<16xf32>
        %min3A_265 = arith.minimumf %add3A_256, %add3A_264 : vector<16xf32>
        %mul3A_266 = arith.mulf %broadcast_in_dim3A_64, %get3A_243 : vector<16xf32>
        %add3A_267 = arith.addf %get3A_249, %mul3A_266 : vector<16xf32>
        %mul3A_268 = arith.mulf %broadcast_in_dim3A_67, %get3A_245 : vector<16xf32>
        %add3A_269 = arith.addf %add3A_267, %mul3A_268 : vector<16xf32>
        %mul3A_270 = arith.mulf %broadcast_in_dim3A_70, %get3A_247 : vector<16xf32>
        %add3A_271 = arith.addf %add3A_269, %mul3A_270 : vector<16xf32>
        %min3A_272 = arith.minimumf %scan3A_232, %add3A_271 : vector<16xf32>
        %add3A_273 = arith.addf %add3A_271, %broadcast_in_dim3A_73 : vector<16xf32>
        %min3A_274 = arith.minimumf %min3A_265, %add3A_273 : vector<16xf32>
        %mul3A_275 = arith.mulf %broadcast_in_dim3A_76, %get3A_243 : vector<16xf32>
        %add3A_276 = arith.addf %get3A_249, %mul3A_275 : vector<16xf32>
        %mul3A_277 = arith.mulf %broadcast_in_dim3A_79, %get3A_245 : vector<16xf32>
        %add3A_278 = arith.addf %add3A_276, %mul3A_277 : vector<16xf32>
        %mul3A_279 = arith.mulf %broadcast_in_dim3A_82, %get3A_247 : vector<16xf32>
        %add3A_280 = arith.addf %add3A_278, %mul3A_279 : vector<16xf32>
        %min3A_281 = arith.minimumf %scan3A_233, %add3A_280 : vector<16xf32>
        %add3A_282 = arith.addf %add3A_280, %broadcast_in_dim3A_85 : vector<16xf32>
        %min3A_283 = arith.minimumf %min3A_274, %add3A_282 : vector<16xf32>
        %mul3A_284 = arith.mulf %broadcast_in_dim3A_88, %get3A_243 : vector<16xf32>
        %add3A_285 = arith.addf %get3A_249, %mul3A_284 : vector<16xf32>
        %mul3A_286 = arith.mulf %broadcast_in_dim3A_91, %get3A_245 : vector<16xf32>
        %add3A_287 = arith.addf %add3A_285, %mul3A_286 : vector<16xf32>
        %mul3A_288 = arith.mulf %broadcast_in_dim3A_94, %get3A_247 : vector<16xf32>
        %add3A_289 = arith.addf %add3A_287, %mul3A_288 : vector<16xf32>
        %min3A_290 = arith.minimumf %scan3A_234, %add3A_289 : vector<16xf32>
        %add3A_291 = arith.addf %add3A_289, %broadcast_in_dim3A_97 : vector<16xf32>
        %min3A_292 = arith.minimumf %min3A_283, %add3A_291 : vector<16xf32>
        %mul3A_293 = arith.mulf %broadcast_in_dim3A_100, %get3A_243 : vector<16xf32>
        %add3A_294 = arith.addf %get3A_249, %mul3A_293 : vector<16xf32>
        %mul3A_295 = arith.mulf %broadcast_in_dim3A_103, %get3A_245 : vector<16xf32>
        %add3A_296 = arith.addf %add3A_294, %mul3A_295 : vector<16xf32>
        %mul3A_297 = arith.mulf %broadcast_in_dim3A_106, %get3A_247 : vector<16xf32>
        %add3A_298 = arith.addf %add3A_296, %mul3A_297 : vector<16xf32>
        %min3A_299 = arith.minimumf %scan3A_235, %add3A_298 : vector<16xf32>
        %add3A_300 = arith.addf %add3A_298, %broadcast_in_dim3A_109 : vector<16xf32>
        %min3A_301 = arith.minimumf %min3A_292, %add3A_300 : vector<16xf32>
        %mul3A_302 = arith.mulf %broadcast_in_dim3A_112, %get3A_243 : vector<16xf32>
        %add3A_303 = arith.addf %get3A_249, %mul3A_302 : vector<16xf32>
        %mul3A_304 = arith.mulf %broadcast_in_dim3A_115, %get3A_245 : vector<16xf32>
        %add3A_305 = arith.addf %add3A_303, %mul3A_304 : vector<16xf32>
        %mul3A_306 = arith.mulf %broadcast_in_dim3A_118, %get3A_247 : vector<16xf32>
        %add3A_307 = arith.addf %add3A_305, %mul3A_306 : vector<16xf32>
        %min3A_308 = arith.minimumf %scan3A_236, %add3A_307 : vector<16xf32>
        %add3A_309 = arith.addf %add3A_307, %broadcast_in_dim3A_121 : vector<16xf32>
        %min3A_310 = arith.minimumf %min3A_301, %add3A_309 : vector<16xf32>
        %mul3A_311 = arith.mulf %broadcast_in_dim3A_124, %get3A_243 : vector<16xf32>
        %add3A_312 = arith.addf %get3A_249, %mul3A_311 : vector<16xf32>
        %mul3A_313 = arith.mulf %broadcast_in_dim3A_127, %get3A_245 : vector<16xf32>
        %add3A_314 = arith.addf %add3A_312, %mul3A_313 : vector<16xf32>
        %mul3A_315 = arith.mulf %broadcast_in_dim3A_130, %get3A_247 : vector<16xf32>
        %add3A_316 = arith.addf %add3A_314, %mul3A_315 : vector<16xf32>
        %min3A_317 = arith.minimumf %scan3A_237, %add3A_316 : vector<16xf32>
        %add3A_318 = arith.addf %add3A_316, %broadcast_in_dim3A_133 : vector<16xf32>
        %min3A_319 = arith.minimumf %min3A_310, %add3A_318 : vector<16xf32>
        %get3A_320 = arith.index_cast %add3A_241 : i32 to index
        %get3A_321 = tpu.vector_load %arg17[%get3A_320] {strides = array<i32>} : memref<20480xf32, #tpu.memory_space<vmem>>, vector<16xf32>,
        %min3A_322 = arith.minimumf %get3A_321, %min3A_319 : vector<16xf32>
        %swap3A_323 = arith.index_cast %add3A_241 : i32 to index
        %swap3A_324 = tpu.vector_load %arg17[%swap3A_323] {strides = array<i32>} : memref<20480xf32, #tpu.memory_space<vmem>>, vector<16xf32>,
        tpu.vector_store %arg17[%swap3A_323], %min3A_322 {strides = array<i32>} : memref<20480xf32, #tpu.memory_space<vmem>>, vector<16xf32>,
        %add3A_325 = arith.constant 16 : i32
        %add3A_326 = arith.addi %mul3A_239, %add3A_325 : i32
        %get3A_327 = arith.index_cast %add3A_326 : i32 to index
        %get3A_328 = tpu.vector_load %arg13[%get3A_327] {strides = array<i32>} : memref<20000xf32, #tpu.memory_space<vmem>>, vector<16xf32>,
        %get3A_329 = arith.index_cast %add3A_326 : i32 to index
        %get3A_330 = tpu.vector_load %arg14[%get3A_329] {strides = array<i32>} : memref<20000xf32, #tpu.memory_space<vmem>>, vector<16xf32>,
        %get3A_331 = arith.index_cast %add3A_326 : i32 to index
        %get3A_332 = tpu.vector_load %arg15[%get3A_331] {strides = array<i32>} : memref<20000xf32, #tpu.memory_space<vmem>>, vector<16xf32>,
        %get3A_333 = arith.index_cast %add3A_326 : i32 to index
        %get3A_334 = tpu.vector_load %arg16[%get3A_333] {strides = array<i32>} : memref<20000xf32, #tpu.memory_space<vmem>>, vector<16xf32>,
        %mul3A_335 = arith.mulf %broadcast_in_dim3A_40, %get3A_328 : vector<16xf32>
        %add3A_336 = arith.addf %get3A_334, %mul3A_335 : vector<16xf32>
        %mul3A_337 = arith.mulf %broadcast_in_dim3A_43, %get3A_330 : vector<16xf32>
        %add3A_338 = arith.addf %add3A_336, %mul3A_337 : vector<16xf32>
        %mul3A_339 = arith.mulf %broadcast_in_dim3A_46, %get3A_332 : vector<16xf32>
        %add3A_340 = arith.addf %add3A_338, %mul3A_339 : vector<16xf32>
        %min3A_341 = arith.minimumf %min3A, %add3A_340 : vector<16xf32>
        %add3A_342 = arith.addf %add3A_340, %broadcast_in_dim3A_49 : vector<16xf32>
        %mul3A_343 = arith.mulf %broadcast_in_dim3A_52, %get3A_328 : vector<16xf32>
        %add3A_344 = arith.addf %get3A_334, %mul3A_343 : vector<16xf32>
        %mul3A_345 = arith.mulf %broadcast_in_dim3A_55, %get3A_330 : vector<16xf32>
        %add3A_346 = arith.addf %add3A_344, %mul3A_345 : vector<16xf32>
        %mul3A_347 = arith.mulf %broadcast_in_dim3A_58, %get3A_332 : vector<16xf32>
        %add3A_348 = arith.addf %add3A_346, %mul3A_347 : vector<16xf32>
        %min3A_349 = arith.minimumf %min3A_263, %add3A_348 : vector<16xf32>
        %add3A_350 = arith.addf %add3A_348, %broadcast_in_dim3A_61 : vector<16xf32>
        %min3A_351 = arith.minimumf %add3A_342, %add3A_350 : vector<16xf32>
        %mul3A_352 = arith.mulf %broadcast_in_dim3A_64, %get3A_328 : vector<16xf32>
        %add3A_353 = arith.addf %get3A_334, %mul3A_352 : vector<16xf32>
        %mul3A_354 = arith.mulf %broadcast_in_dim3A_67, %get3A_330 : vector<16xf32>
        %add3A_355 = arith.addf %add3A_353, %mul3A_354 : vector<16xf32>
        %mul3A_356 = arith.mulf %broadcast_in_dim3A_70, %get3A_332 : vector<16xf32>
        %add3A_357 = arith.addf %add3A_355, %mul3A_356 : vector<16xf32>
        %min3A_358 = arith.minimumf %min3A_272, %add3A_357 : vector<16xf32>
        %add3A_359 = arith.addf %add3A_357, %broadcast_in_dim3A_73 : vector<16xf32>
        %min3A_360 = arith.minimumf %min3A_351, %add3A_359 : vector<16xf32>
        %mul3A_361 = arith.mulf %broadcast_in_dim3A_76, %get3A_328 : vector<16xf32>
        %add3A_362 = arith.addf %get3A_334, %mul3A_361 : vector<16xf32>
        %mul3A_363 = arith.mulf %broadcast_in_dim3A_79, %get3A_330 : vector<16xf32>
        %add3A_364 = arith.addf %add3A_362, %mul3A_363 : vector<16xf32>
        %mul3A_365 = arith.mulf %broadcast_in_dim3A_82, %get3A_332 : vector<16xf32>
        %add3A_366 = arith.addf %add3A_364, %mul3A_365 : vector<16xf32>
        %min3A_367 = arith.minimumf %min3A_281, %add3A_366 : vector<16xf32>
        %add3A_368 = arith.addf %add3A_366, %broadcast_in_dim3A_85 : vector<16xf32>
        %min3A_369 = arith.minimumf %min3A_360, %add3A_368 : vector<16xf32>
        %mul3A_370 = arith.mulf %broadcast_in_dim3A_88, %get3A_328 : vector<16xf32>
        %add3A_371 = arith.addf %get3A_334, %mul3A_370 : vector<16xf32>
        %mul3A_372 = arith.mulf %broadcast_in_dim3A_91, %get3A_330 : vector<16xf32>
        %add3A_373 = arith.addf %add3A_371, %mul3A_372 : vector<16xf32>
        %mul3A_374 = arith.mulf %broadcast_in_dim3A_94, %get3A_332 : vector<16xf32>
        %add3A_375 = arith.addf %add3A_373, %mul3A_374 : vector<16xf32>
        %min3A_376 = arith.minimumf %min3A_290, %add3A_375 : vector<16xf32>
        %add3A_377 = arith.addf %add3A_375, %broadcast_in_dim3A_97 : vector<16xf32>
        %min3A_378 = arith.minimumf %min3A_369, %add3A_377 : vector<16xf32>
        %mul3A_379 = arith.mulf %broadcast_in_dim3A_100, %get3A_328 : vector<16xf32>
        %add3A_380 = arith.addf %get3A_334, %mul3A_379 : vector<16xf32>
        %mul3A_381 = arith.mulf %broadcast_in_dim3A_103, %get3A_330 : vector<16xf32>
        %add3A_382 = arith.addf %add3A_380, %mul3A_381 : vector<16xf32>
        %mul3A_383 = arith.mulf %broadcast_in_dim3A_106, %get3A_332 : vector<16xf32>
        %add3A_384 = arith.addf %add3A_382, %mul3A_383 : vector<16xf32>
        %min3A_385 = arith.minimumf %min3A_299, %add3A_384 : vector<16xf32>
        %add3A_386 = arith.addf %add3A_384, %broadcast_in_dim3A_109 : vector<16xf32>
        %min3A_387 = arith.minimumf %min3A_378, %add3A_386 : vector<16xf32>
        %mul3A_388 = arith.mulf %broadcast_in_dim3A_112, %get3A_328 : vector<16xf32>
        %add3A_389 = arith.addf %get3A_334, %mul3A_388 : vector<16xf32>
        %mul3A_390 = arith.mulf %broadcast_in_dim3A_115, %get3A_330 : vector<16xf32>
        %add3A_391 = arith.addf %add3A_389, %mul3A_390 : vector<16xf32>
        %mul3A_392 = arith.mulf %broadcast_in_dim3A_118, %get3A_332 : vector<16xf32>
        %add3A_393 = arith.addf %add3A_391, %mul3A_392 : vector<16xf32>
        %min3A_394 = arith.minimumf %min3A_308, %add3A_393 : vector<16xf32>
        %add3A_395 = arith.addf %add3A_393, %broadcast_in_dim3A_121 : vector<16xf32>
        %min3A_396 = arith.minimumf %min3A_387, %add3A_395 : vector<16xf32>
        %mul3A_397 = arith.mulf %broadcast_in_dim3A_124, %get3A_328 : vector<16xf32>
        %add3A_398 = arith.addf %get3A_334, %mul3A_397 : vector<16xf32>
        %mul3A_399 = arith.mulf %broadcast_in_dim3A_127, %get3A_330 : vector<16xf32>
        %add3A_400 = arith.addf %add3A_398, %mul3A_399 : vector<16xf32>
        %mul3A_401 = arith.mulf %broadcast_in_dim3A_130, %get3A_332 : vector<16xf32>
        %add3A_402 = arith.addf %add3A_400, %mul3A_401 : vector<16xf32>
        %min3A_403 = arith.minimumf %min3A_317, %add3A_402 : vector<16xf32>
        %add3A_404 = arith.addf %add3A_402, %broadcast_in_dim3A_133 : vector<16xf32>
        %min3A_405 = arith.minimumf %min3A_396, %add3A_404 : vector<16xf32>
        %get3A_406 = arith.index_cast %add3A_326 : i32 to index
        %get3A_407 = tpu.vector_load %arg17[%get3A_406] {strides = array<i32>} : memref<20480xf32, #tpu.memory_space<vmem>>, vector<16xf32>,
        %min3A_408 = arith.minimumf %get3A_407, %min3A_405 : vector<16xf32>
        %swap3A_409 = arith.index_cast %add3A_326 : i32 to index
        %swap3A_410 = tpu.vector_load %arg17[%swap3A_409] {strides = array<i32>} : memref<20480xf32, #tpu.memory_space<vmem>>, vector<16xf32>,
        tpu.vector_store %arg17[%swap3A_409], %min3A_408 {strides = array<i32>} : memref<20480xf32, #tpu.memory_space<vmem>>, vector<16xf32>,
        scf.yield %min3A_341, %min3A_349, %min3A_358, %min3A_367, %min3A_376, %min3A_385, %min3A_394, %min3A_403 : vector<16xf32>, vector<16xf32>, vector<16xf32>, vector<16xf32>, vector<16xf32>, vector<16xf32>, vector<16xf32>, vector<16xf32>
      }
      %scan3A_139 = arith.constant 625 : i32
      %get3A_140 = arith.index_cast %mul3A_32 : i32 to index
      %get3A_141 = tpu.vector_load %arg22[%get3A_140] {strides = array<i32>} : memref<264xf32, #tpu.memory_space<vmem>>, vector<16xf32>,
      %reduce_min3A = arith.constant true
      %reduce_min3A_142 = vector.broadcast %reduce_min3A : i1 to vector<16xi1>
      %reduce_min3A_143 = tpu.scan <min>, %scan3A_138#0 masked %reduce_min3A_142 : vector<16xf32>, vector<16xi1> -> vector<16xf32>
      %reduce_min3A_144 = vector.extract %reduce_min3A_143[15] : f32 from vector<16xf32>
      %slice3A_145 = vector.extract_strided_slice %get3A_39 {offsets = [0], sizes = [1], strides = [1]} : vector<16xf32> to vector<1xf32>
      %squeeze3A_146 = vector.extract %slice3A_145[0] : f32 from vector<1xf32>
      %add3A_147 = arith.addf %reduce_min3A_144, %squeeze3A_146 : f32
      %slice3A_148 = vector.extract_strided_slice %get3A_141 {offsets = [0], sizes = [1], strides = [1]} : vector<16xf32> to vector<1xf32>
      %squeeze3A_149 = vector.extract %slice3A_148[0] : f32 from vector<1xf32>
      %mul3A_150 = arith.mulf %add3A_147, %squeeze3A_149 : f32
      %add3A_151 = arith.addf %scan3A_30, %mul3A_150 : f32
      %reduce_min3A_152 = arith.constant true
      %reduce_min3A_153 = vector.broadcast %reduce_min3A_152 : i1 to vector<16xi1>
      %reduce_min3A_154 = tpu.scan <min>, %scan3A_138#1 masked %reduce_min3A_153 : vector<16xf32>, vector<16xi1> -> vector<16xf32>
      %reduce_min3A_155 = vector.extract %reduce_min3A_154[15] : f32 from vector<16xf32>
      %slice3A_156 = vector.extract_strided_slice %get3A_39 {offsets = [1], sizes = [1], strides = [1]} : vector<16xf32> to vector<1xf32>
      %squeeze3A_157 = vector.extract %slice3A_156[0] : f32 from vector<1xf32>
      %add3A_158 = arith.addf %reduce_min3A_155, %squeeze3A_157 : f32
      %slice3A_159 = vector.extract_strided_slice %get3A_141 {offsets = [1], sizes = [1], strides = [1]} : vector<16xf32> to vector<1xf32>
      %squeeze3A_160 = vector.extract %slice3A_159[0] : f32 from vector<1xf32>
      %mul3A_161 = arith.mulf %add3A_158, %squeeze3A_160 : f32
      %add3A_162 = arith.addf %add3A_151, %mul3A_161 : f32
      %reduce_min3A_163 = arith.constant true
      %reduce_min3A_164 = vector.broadcast %reduce_min3A_163 : i1 to vector<16xi1>
      %reduce_min3A_165 = tpu.scan <min>, %scan3A_138#2 masked %reduce_min3A_164 : vector<16xf32>, vector<16xi1> -> vector<16xf32>
      %reduce_min3A_166 = vector.extract %reduce_min3A_165[15] : f32 from vector<16xf32>
      %slice3A_167 = vector.extract_strided_slice %get3A_39 {offsets = [2], sizes = [1], strides = [1]} : vector<16xf32> to vector<1xf32>
      %squeeze3A_168 = vector.extract %slice3A_167[0] : f32 from vector<1xf32>
      %add3A_169 = arith.addf %reduce_min3A_166, %squeeze3A_168 : f32
      %slice3A_170 = vector.extract_strided_slice %get3A_141 {offsets = [2], sizes = [1], strides = [1]} : vector<16xf32> to vector<1xf32>
      %squeeze3A_171 = vector.extract %slice3A_170[0] : f32 from vector<1xf32>
      %mul3A_172 = arith.mulf %add3A_169, %squeeze3A_171 : f32
      %add3A_173 = arith.addf %add3A_162, %mul3A_172 : f32
      %reduce_min3A_174 = arith.constant true
      %reduce_min3A_175 = vector.broadcast %reduce_min3A_174 : i1 to vector<16xi1>
      %reduce_min3A_176 = tpu.scan <min>, %scan3A_138#3 masked %reduce_min3A_175 : vector<16xf32>, vector<16xi1> -> vector<16xf32>
      %reduce_min3A_177 = vector.extract %reduce_min3A_176[15] : f32 from vector<16xf32>
      %slice3A_178 = vector.extract_strided_slice %get3A_39 {offsets = [3], sizes = [1], strides = [1]} : vector<16xf32> to vector<1xf32>
      %squeeze3A_179 = vector.extract %slice3A_178[0] : f32 from vector<1xf32>
      %add3A_180 = arith.addf %reduce_min3A_177, %squeeze3A_179 : f32
      %slice3A_181 = vector.extract_strided_slice %get3A_141 {offsets = [3], sizes = [1], strides = [1]} : vector<16xf32> to vector<1xf32>
      %squeeze3A_182 = vector.extract %slice3A_181[0] : f32 from vector<1xf32>
      %mul3A_183 = arith.mulf %add3A_180, %squeeze3A_182 : f32
      %add3A_184 = arith.addf %add3A_173, %mul3A_183 : f32
      %reduce_min3A_185 = arith.constant true
      %reduce_min3A_186 = vector.broadcast %reduce_min3A_185 : i1 to vector<16xi1>
      %reduce_min3A_187 = tpu.scan <min>, %scan3A_138#4 masked %reduce_min3A_186 : vector<16xf32>, vector<16xi1> -> vector<16xf32>
      %reduce_min3A_188 = vector.extract %reduce_min3A_187[15] : f32 from vector<16xf32>
      %slice3A_189 = vector.extract_strided_slice %get3A_39 {offsets = [4], sizes = [1], strides = [1]} : vector<16xf32> to vector<1xf32>
      %squeeze3A_190 = vector.extract %slice3A_189[0] : f32 from vector<1xf32>
      %add3A_191 = arith.addf %reduce_min3A_188, %squeeze3A_190 : f32
      %slice3A_192 = vector.extract_strided_slice %get3A_141 {offsets = [4], sizes = [1], strides = [1]} : vector<16xf32> to vector<1xf32>
      %squeeze3A_193 = vector.extract %slice3A_192[0] : f32 from vector<1xf32>
      %mul3A_194 = arith.mulf %add3A_191, %squeeze3A_193 : f32
      %add3A_195 = arith.addf %add3A_184, %mul3A_194 : f32
      %reduce_min3A_196 = arith.constant true
      %reduce_min3A_197 = vector.broadcast %reduce_min3A_196 : i1 to vector<16xi1>
      %reduce_min3A_198 = tpu.scan <min>, %scan3A_138#5 masked %reduce_min3A_197 : vector<16xf32>, vector<16xi1> -> vector<16xf32>
      %reduce_min3A_199 = vector.extract %reduce_min3A_198[15] : f32 from vector<16xf32>
      %slice3A_200 = vector.extract_strided_slice %get3A_39 {offsets = [5], sizes = [1], strides = [1]} : vector<16xf32> to vector<1xf32>
      %squeeze3A_201 = vector.extract %slice3A_200[0] : f32 from vector<1xf32>
      %add3A_202 = arith.addf %reduce_min3A_199, %squeeze3A_201 : f32
      %slice3A_203 = vector.extract_strided_slice %get3A_141 {offsets = [5], sizes = [1], strides = [1]} : vector<16xf32> to vector<1xf32>
      %squeeze3A_204 = vector.extract %slice3A_203[0] : f32 from vector<1xf32>
      %mul3A_205 = arith.mulf %add3A_202, %squeeze3A_204 : f32
      %add3A_206 = arith.addf %add3A_195, %mul3A_205 : f32
      %reduce_min3A_207 = arith.constant true
      %reduce_min3A_208 = vector.broadcast %reduce_min3A_207 : i1 to vector<16xi1>
      %reduce_min3A_209 = tpu.scan <min>, %scan3A_138#6 masked %reduce_min3A_208 : vector<16xf32>, vector<16xi1> -> vector<16xf32>
      %reduce_min3A_210 = vector.extract %reduce_min3A_209[15] : f32 from vector<16xf32>
      %slice3A_211 = vector.extract_strided_slice %get3A_39 {offsets = [6], sizes = [1], strides = [1]} : vector<16xf32> to vector<1xf32>
      %squeeze3A_212 = vector.extract %slice3A_211[0] : f32 from vector<1xf32>
      %add3A_213 = arith.addf %reduce_min3A_210, %squeeze3A_212 : f32
      %slice3A_214 = vector.extract_strided_slice %get3A_141 {offsets = [6], sizes = [1], strides = [1]} : vector<16xf32> to vector<1xf32>
      %squeeze3A_215 = vector.extract %slice3A_214[0] : f32 from vector<1xf32>
      %mul3A_216 = arith.mulf %add3A_213, %squeeze3A_215 : f32
      %add3A_217 = arith.addf %add3A_206, %mul3A_216 : f32
      %reduce_min3A_218 = arith.constant true
      %reduce_min3A_219 = vector.broadcast %reduce_min3A_218 : i1 to vector<16xi1>
      %reduce_min3A_220 = tpu.scan <min>, %scan3A_138#7 masked %reduce_min3A_219 : vector<16xf32>, vector<16xi1> -> vector<16xf32>
      %reduce_min3A_221 = vector.extract %reduce_min3A_220[15] : f32 from vector<16xf32>
      %slice3A_222 = vector.extract_strided_slice %get3A_39 {offsets = [7], sizes = [1], strides = [1]} : vector<16xf32> to vector<1xf32>
      %squeeze3A_223 = vector.extract %slice3A_222[0] : f32 from vector<1xf32>
      %add3A_224 = arith.addf %reduce_min3A_221, %squeeze3A_223 : f32
      %slice3A_225 = vector.extract_strided_slice %get3A_141 {offsets = [7], sizes = [1], strides = [1]} : vector<16xf32> to vector<1xf32>
      %squeeze3A_226 = vector.extract %slice3A_225[0] : f32 from vector<1xf32>
      %mul3A_227 = arith.mulf %add3A_224, %squeeze3A_226 : f32
      %add3A_228 = arith.addf %add3A_217, %mul3A_227 : f32
      scf.yield %add3A_228 : f32
    }
    %scan3A_23 = arith.constant 31 : i32
    %iota3A = tpu.iota {dimensions = array<i32: 0>} : vector<16xi32>
    %eq3A = arith.constant 0 : i32
    %eq3A_24 = vector.broadcast %eq3A : i32 to vector<16xi32>
    %eq3A_25 = arith.cmpi eq, %iota3A, %eq3A_24 : vector<16xi32>
    %jit3A = arith.constant 0.000000e+00 : f32
    %broadcast_in_dim3A_26 = vector.broadcast %scan3A_22 : f32 to vector<16xf32>
    %broadcast_in_dim3A_27 = vector.broadcast %jit3A : f32 to vector<16xf32>
    %select_n3A = arith.select %eq3A_25, %broadcast_in_dim3A_26, %broadcast_in_dim3A_27 : vector<16xi1>, vector<16xf32>
    %swap3A = arith.constant 0 : index
    %swap3A_28 = tpu.vector_load %arg23[%swap3A] {strides = array<i32>} : memref<16xf32, #tpu.memory_space<vmem>>, vector<16xf32>,
    tpu.vector_store %arg23[%swap3A], %select_n3A {strides = array<i32>} : memref<16xf32, #tpu.memory_space<vmem>>, vector<16xf32>,
    "tpu.region"() ({
      %run_scoped3A = tpu.sem_alloc : memref<!tpu.dma_semaphore, #tpu.memory_space<semaphore_mem>>
      %dma_start3A = arith.constant 0 : i32
      %dma_start3A_29 = tpu.memref_slice %arg11[%add3A, %dma_start3A] : memref<32x16xf32, #tpu.memory_space<hbm>> -> memref<1x16xf32, #tpu.memory_space<hbm>>
      %dma_start3A_30 = tpu.memref_squeeze %dma_start3A_29 : memref<1x16xf32, #tpu.memory_space<hbm>> -> memref<16xf32, #tpu.memory_space<hbm>>
      %dma_start3A_31 = arith.constant 0 : i32
      %dma_start3A_32 = tpu.memref_slice %arg11[%add3A, %dma_start3A_31] : memref<32x16xf32, #tpu.memory_space<hbm>> -> memref<1x16xf32, #tpu.memory_space<hbm>>
      %dma_start3A_33 = tpu.memref_squeeze %dma_start3A_32 : memref<1x16xf32, #tpu.memory_space<hbm>> -> memref<16xf32, #tpu.memory_space<hbm>>
      tpu.enqueue_dma source(%arg23 : memref<16xf32, #tpu.memory_space<vmem>>) target(%dma_start3A_33 : memref<16xf32, #tpu.memory_space<hbm>>) target_semaphore(%run_scoped3A : memref<!tpu.dma_semaphore, #tpu.memory_space<semaphore_mem>>)
      %dma_wait3A = arith.constant 0 : i32
      %dma_wait3A_34 = tpu.memref_slice %arg11[%add3A, %dma_wait3A] : memref<32x16xf32, #tpu.memory_space<hbm>> -> memref<1x16xf32, #tpu.memory_space<hbm>>
      %dma_wait3A_35 = tpu.memref_squeeze %dma_wait3A_34 : memref<1x16xf32, #tpu.memory_space<hbm>> -> memref<16xf32, #tpu.memory_space<hbm>>
      %dma_wait3A_36 = arith.constant 0 : i32
      %dma_wait3A_37 = tpu.memref_slice %arg11[%add3A, %dma_wait3A_36] : memref<32x16xf32, #tpu.memory_space<hbm>> -> memref<1x16xf32, #tpu.memory_space<hbm>>
      %dma_wait3A_38 = tpu.memref_squeeze %dma_wait3A_37 : memref<1x16xf32, #tpu.memory_space<hbm>> -> memref<16xf32, #tpu.memory_space<hbm>>
      tpu.wait_dma2 semaphore(%run_scoped3A : memref<!tpu.dma_semaphore, #tpu.memory_space<semaphore_mem>>) src(%arg23 : memref<16xf32, #tpu.memory_space<vmem>>) dst(%dma_wait3A_38 : memref<16xf32, #tpu.memory_space<hbm>>)
      tpu.yield
    }) : () -> ()
    "tpu.region"() ({
      %run_scoped3A = tpu.sem_alloc : memref<!tpu.dma_semaphore, #tpu.memory_space<semaphore_mem>>
      %dma_start3A = arith.constant 0 : i32
      %dma_start3A_29 = tpu.memref_slice %arg12[%add3A, %dma_start3A] : memref<32x20480xf32, #tpu.memory_space<hbm>> -> memref<1x20480xf32, #tpu.memory_space<hbm>>
      %dma_start3A_30 = tpu.memref_squeeze %dma_start3A_29 : memref<1x20480xf32, #tpu.memory_space<hbm>> -> memref<20480xf32, #tpu.memory_space<hbm>>
      %dma_start3A_31 = arith.constant 0 : i32
      %dma_start3A_32 = tpu.memref_slice %arg12[%add3A, %dma_start3A_31] : memref<32x20480xf32, #tpu.memory_space<hbm>> -> memref<1x20480xf32, #tpu.memory_space<hbm>>
      %dma_start3A_33 = tpu.memref_squeeze %dma_start3A_32 : memref<1x20480xf32, #tpu.memory_space<hbm>> -> memref<20480xf32, #tpu.memory_space<hbm>>
      tpu.enqueue_dma source(%arg17 : memref<20480xf32, #tpu.memory_space<vmem>>) target(%dma_start3A_33 : memref<20480xf32, #tpu.memory_space<hbm>>) target_semaphore(%run_scoped3A : memref<!tpu.dma_semaphore, #tpu.memory_space<semaphore_mem>>)
      %dma_wait3A = arith.constant 0 : i32
      %dma_wait3A_34 = tpu.memref_slice %arg12[%add3A, %dma_wait3A] : memref<32x20480xf32, #tpu.memory_space<hbm>> -> memref<1x20480xf32, #tpu.memory_space<hbm>>
      %dma_wait3A_35 = tpu.memref_squeeze %dma_wait3A_34 : memref<1x20480xf32, #tpu.memory_space<hbm>> -> memref<20480xf32, #tpu.memory_space<hbm>>
      %dma_wait3A_36 = arith.constant 0 : i32
      %dma_wait3A_37 = tpu.memref_slice %arg12[%add3A, %dma_wait3A_36] : memref<32x20480xf32, #tpu.memory_space<hbm>> -> memref<1x20480xf32, #tpu.memory_space<hbm>>
      %dma_wait3A_38 = tpu.memref_squeeze %dma_wait3A_37 : memref<1x20480xf32, #tpu.memory_space<hbm>> -> memref<20480xf32, #tpu.memory_space<hbm>>
      tpu.wait_dma2 semaphore(%run_scoped3A : memref<!tpu.dma_semaphore, #tpu.memory_space<semaphore_mem>>) src(%arg17 : memref<20480xf32, #tpu.memory_space<vmem>>) dst(%dma_wait3A_38 : memref<20480xf32, #tpu.memory_space<hbm>>)
      tpu.yield
    }) : () -> ()
    return
  }
}

module attributes {stable_mosaic.version = 14 : i64} {
  func.func @body(%arg0: i32, %arg1: memref<4x8x128xf32, #tpu.memory_space<vmem>>, %arg2: memref<4x8x128xf32, #tpu.memory_space<vmem>>, %arg3: memref<4x8x128xf32, #tpu.memory_space<vmem>>, %arg4: memref<4x8x128xf32, #tpu.memory_space<vmem>>, %arg5: memref<160x8x128xf32, #tpu.memory_space<vmem>>, %arg6: memref<160x8x128xf32, #tpu.memory_space<vmem>>, %arg7: memref<160x8x128xf32, #tpu.memory_space<vmem>>, %arg8: memref<160x8x128xf32, #tpu.memory_space<vmem>>, %arg9: memref<1x1xf32, #tpu.memory_space<vmem>>, %arg10: memref<160x1x128xf32, #tpu.memory_space<vmem>>, %arg11: memref<8x20480xf32, #tpu.memory_space<vmem>>) attributes {dimension_semantics = [#tpu.dimension_semantics<arbitrary>], iteration_bounds = array<i64: 380>, scalar_prefetch = 0 : i64, scratch_operands = 1 : i64, tpu.core_type = #tpu.core_type<tc>, window_params = [{transform_indices = @transform_0, window_bounds = array<i64: 4, 8, 128>}, {transform_indices = @transform_1, window_bounds = array<i64: 4, 8, 128>}, {transform_indices = @transform_2, window_bounds = array<i64: 4, 8, 128>}, {transform_indices = @transform_3, window_bounds = array<i64: 4, 8, 128>}, {pipeline_mode = #tpu.pipeline_mode<synchronous>, transform_indices = @transform_4, window_bounds = array<i64: 160, 8, 128>}, {pipeline_mode = #tpu.pipeline_mode<synchronous>, transform_indices = @transform_5, window_bounds = array<i64: 160, 8, 128>}, {pipeline_mode = #tpu.pipeline_mode<synchronous>, transform_indices = @transform_6, window_bounds = array<i64: 160, 8, 128>}, {pipeline_mode = #tpu.pipeline_mode<synchronous>, transform_indices = @transform_7, window_bounds = array<i64: 160, 8, 128>}, {pipeline_mode = #tpu.pipeline_mode<synchronous>, transform_indices = @transform_8, window_bounds = array<i64: 1, 1>}, {pipeline_mode = #tpu.pipeline_mode<synchronous>, transform_indices = @transform_9, window_bounds = array<i64: 160, 1, 128>}]} {
    %eq3A = arith.constant 0 : i32
    %eq3A_0 = arith.cmpi eq, %arg0, %eq3A : i32
    %convert_element_type3A = arith.extui %eq3A_0 : i1 to i32
    %cond3A = arith.constant 0 : i32
    %cond3A_1 = arith.cmpi ne, %convert_element_type3A, %cond3A : i32
    scf.if %cond3A_1 {
      %scan3A_141 = arith.constant 0 : i32
      %scan3A_142 = arith.constant 160 : i32
      %scan3A_143 = arith.addi %scan3A_141, %scan3A_142 : i32
      %scan3A_144 = arith.constant 1 : i32
      scf.for %scan3A_146 = %scan3A_141 to %scan3A_143 step %scan3A_144  : i32 {
        %broadcast_in_dim3A_147 = arith.constant 3.000000e+38 : f32
        %broadcast_in_dim3A_148 = vector.broadcast %broadcast_in_dim3A_147 : f32 to vector<8x128xf32>
        %mul3A = arith.constant 128 : i32
        %mul3A_149 = arith.muli %scan3A_146, %mul3A : i32
        %swap3A = arith.constant 0 : index
        %swap3A_150 = arith.index_cast %mul3A_149 : i32 to index
        %swap3A_151 = vector.load %arg11[%swap3A, %swap3A_150] : memref<8x20480xf32, #tpu.memory_space<vmem>>, vector<8x128xf32>
        tpu.vector_store %arg11[%swap3A, %swap3A_150], %broadcast_in_dim3A_148 {strides = array<i32>} : memref<8x20480xf32, #tpu.memory_space<vmem>>, vector<8x128xf32>,
      }
      %scan3A_145 = arith.constant 160 : i32
    } else {
    }
    %get3A = arith.constant 0 : index
    %get3A_2 = arith.constant 0 : index
    %get3A_3 = arith.constant 0 : index
    %get3A_4 = vector.load %arg1[%get3A, %get3A_2, %get3A_3] : memref<4x8x128xf32, #tpu.memory_space<vmem>>, vector<1x8x128xf32>
    %get3A_5 = vector.shape_cast %get3A_4 : vector<1x8x128xf32> to vector<8x128xf32>
    %get3A_6 = arith.constant 1 : index
    %get3A_7 = arith.constant 0 : index
    %get3A_8 = arith.constant 0 : index
    %get3A_9 = vector.load %arg1[%get3A_6, %get3A_7, %get3A_8] : memref<4x8x128xf32, #tpu.memory_space<vmem>>, vector<1x8x128xf32>
    %get3A_10 = vector.shape_cast %get3A_9 : vector<1x8x128xf32> to vector<8x128xf32>
    %get3A_11 = arith.constant 2 : index
    %get3A_12 = arith.constant 0 : index
    %get3A_13 = arith.constant 0 : index
    %get3A_14 = vector.load %arg1[%get3A_11, %get3A_12, %get3A_13] : memref<4x8x128xf32, #tpu.memory_space<vmem>>, vector<1x8x128xf32>
    %get3A_15 = vector.shape_cast %get3A_14 : vector<1x8x128xf32> to vector<8x128xf32>
    %get3A_16 = arith.constant 3 : index
    %get3A_17 = arith.constant 0 : index
    %get3A_18 = arith.constant 0 : index
    %get3A_19 = vector.load %arg1[%get3A_16, %get3A_17, %get3A_18] : memref<4x8x128xf32, #tpu.memory_space<vmem>>, vector<1x8x128xf32>
    %get3A_20 = vector.shape_cast %get3A_19 : vector<1x8x128xf32> to vector<8x128xf32>
    %get3A_21 = arith.constant 0 : index
    %get3A_22 = arith.constant 0 : index
    %get3A_23 = arith.constant 0 : index
    %get3A_24 = vector.load %arg2[%get3A_21, %get3A_22, %get3A_23] : memref<4x8x128xf32, #tpu.memory_space<vmem>>, vector<1x8x128xf32>
    %get3A_25 = vector.shape_cast %get3A_24 : vector<1x8x128xf32> to vector<8x128xf32>
    %get3A_26 = arith.constant 1 : index
    %get3A_27 = arith.constant 0 : index
    %get3A_28 = arith.constant 0 : index
    %get3A_29 = vector.load %arg2[%get3A_26, %get3A_27, %get3A_28] : memref<4x8x128xf32, #tpu.memory_space<vmem>>, vector<1x8x128xf32>
    %get3A_30 = vector.shape_cast %get3A_29 : vector<1x8x128xf32> to vector<8x128xf32>
    %get3A_31 = arith.constant 2 : index
    %get3A_32 = arith.constant 0 : index
    %get3A_33 = arith.constant 0 : index
    %get3A_34 = vector.load %arg2[%get3A_31, %get3A_32, %get3A_33] : memref<4x8x128xf32, #tpu.memory_space<vmem>>, vector<1x8x128xf32>
    %get3A_35 = vector.shape_cast %get3A_34 : vector<1x8x128xf32> to vector<8x128xf32>
    %get3A_36 = arith.constant 3 : index
    %get3A_37 = arith.constant 0 : index
    %get3A_38 = arith.constant 0 : index
    %get3A_39 = vector.load %arg2[%get3A_36, %get3A_37, %get3A_38] : memref<4x8x128xf32, #tpu.memory_space<vmem>>, vector<1x8x128xf32>
    %get3A_40 = vector.shape_cast %get3A_39 : vector<1x8x128xf32> to vector<8x128xf32>
    %get3A_41 = arith.constant 0 : index
    %get3A_42 = arith.constant 0 : index
    %get3A_43 = arith.constant 0 : index
    %get3A_44 = vector.load %arg3[%get3A_41, %get3A_42, %get3A_43] : memref<4x8x128xf32, #tpu.memory_space<vmem>>, vector<1x8x128xf32>
    %get3A_45 = vector.shape_cast %get3A_44 : vector<1x8x128xf32> to vector<8x128xf32>
    %get3A_46 = arith.constant 1 : index
    %get3A_47 = arith.constant 0 : index
    %get3A_48 = arith.constant 0 : index
    %get3A_49 = vector.load %arg3[%get3A_46, %get3A_47, %get3A_48] : memref<4x8x128xf32, #tpu.memory_space<vmem>>, vector<1x8x128xf32>
    %get3A_50 = vector.shape_cast %get3A_49 : vector<1x8x128xf32> to vector<8x128xf32>
    %get3A_51 = arith.constant 2 : index
    %get3A_52 = arith.constant 0 : index
    %get3A_53 = arith.constant 0 : index
    %get3A_54 = vector.load %arg3[%get3A_51, %get3A_52, %get3A_53] : memref<4x8x128xf32, #tpu.memory_space<vmem>>, vector<1x8x128xf32>
    %get3A_55 = vector.shape_cast %get3A_54 : vector<1x8x128xf32> to vector<8x128xf32>
    %get3A_56 = arith.constant 3 : index
    %get3A_57 = arith.constant 0 : index
    %get3A_58 = arith.constant 0 : index
    %get3A_59 = vector.load %arg3[%get3A_56, %get3A_57, %get3A_58] : memref<4x8x128xf32, #tpu.memory_space<vmem>>, vector<1x8x128xf32>
    %get3A_60 = vector.shape_cast %get3A_59 : vector<1x8x128xf32> to vector<8x128xf32>
    %get3A_61 = arith.constant 0 : index
    %get3A_62 = arith.constant 0 : index
    %get3A_63 = arith.constant 0 : index
    %get3A_64 = vector.load %arg4[%get3A_61, %get3A_62, %get3A_63] : memref<4x8x128xf32, #tpu.memory_space<vmem>>, vector<1x8x128xf32>
    %get3A_65 = vector.shape_cast %get3A_64 : vector<1x8x128xf32> to vector<8x128xf32>
    %get3A_66 = arith.constant 1 : index
    %get3A_67 = arith.constant 0 : index
    %get3A_68 = arith.constant 0 : index
    %get3A_69 = vector.load %arg4[%get3A_66, %get3A_67, %get3A_68] : memref<4x8x128xf32, #tpu.memory_space<vmem>>, vector<1x8x128xf32>
    %get3A_70 = vector.shape_cast %get3A_69 : vector<1x8x128xf32> to vector<8x128xf32>
    %get3A_71 = arith.constant 2 : index
    %get3A_72 = arith.constant 0 : index
    %get3A_73 = arith.constant 0 : index
    %get3A_74 = vector.load %arg4[%get3A_71, %get3A_72, %get3A_73] : memref<4x8x128xf32, #tpu.memory_space<vmem>>, vector<1x8x128xf32>
    %get3A_75 = vector.shape_cast %get3A_74 : vector<1x8x128xf32> to vector<8x128xf32>
    %get3A_76 = arith.constant 3 : index
    %get3A_77 = arith.constant 0 : index
    %get3A_78 = arith.constant 0 : index
    %get3A_79 = vector.load %arg4[%get3A_76, %get3A_77, %get3A_78] : memref<4x8x128xf32, #tpu.memory_space<vmem>>, vector<1x8x128xf32>
    %get3A_80 = vector.shape_cast %get3A_79 : vector<1x8x128xf32> to vector<8x128xf32>
    %broadcast_in_dim3A = arith.constant 3.000000e+38 : f32
    %broadcast_in_dim3A_81 = vector.broadcast %broadcast_in_dim3A : f32 to vector<8x128xf32>
    %broadcast_in_dim3A_82 = arith.constant 3.000000e+38 : f32
    %broadcast_in_dim3A_83 = vector.broadcast %broadcast_in_dim3A_82 : f32 to vector<8x128xf32>
    %broadcast_in_dim3A_84 = arith.constant 3.000000e+38 : f32
    %broadcast_in_dim3A_85 = vector.broadcast %broadcast_in_dim3A_84 : f32 to vector<8x128xf32>
    %broadcast_in_dim3A_86 = arith.constant 3.000000e+38 : f32
    %broadcast_in_dim3A_87 = vector.broadcast %broadcast_in_dim3A_86 : f32 to vector<8x128xf32>
    %scan3A = arith.constant 0 : i32
    %scan3A_88 = arith.constant 80 : i32
    %scan3A_89 = arith.addi %scan3A, %scan3A_88 : i32
    %scan3A_90 = arith.constant 1 : i32
    %scan3A_91:4 = scf.for %scan3A_141 = %scan3A to %scan3A_89 step %scan3A_90 iter_args(%scan3A_142 = %broadcast_in_dim3A_81, %scan3A_143 = %broadcast_in_dim3A_83, %scan3A_144 = %broadcast_in_dim3A_85, %scan3A_145 = %broadcast_in_dim3A_87) -> (vector<8x128xf32>, vector<8x128xf32>, vector<8x128xf32>, vector<8x128xf32>)  : i32 {
      %mul3A = arith.constant 2 : i32
      %mul3A_146 = arith.muli %scan3A_141, %mul3A : i32
      %add3A_147 = arith.constant 0 : i32
      %add3A_148 = arith.addi %mul3A_146, %add3A_147 : i32
      %get3A_149 = arith.index_cast %add3A_148 : i32 to index
      %get3A_150 = arith.constant 0 : index
      %get3A_151 = arith.constant 0 : index
      %get3A_152 = vector.load %arg5[%get3A_149, %get3A_150, %get3A_151] : memref<160x8x128xf32, #tpu.memory_space<vmem>>, vector<1x8x128xf32>
      %get3A_153 = vector.shape_cast %get3A_152 : vector<1x8x128xf32> to vector<8x128xf32>
      %get3A_154 = arith.index_cast %add3A_148 : i32 to index
      %get3A_155 = arith.constant 0 : index
      %get3A_156 = arith.constant 0 : index
      %get3A_157 = vector.load %arg6[%get3A_154, %get3A_155, %get3A_156] : memref<160x8x128xf32, #tpu.memory_space<vmem>>, vector<1x8x128xf32>
      %get3A_158 = vector.shape_cast %get3A_157 : vector<1x8x128xf32> to vector<8x128xf32>
      %get3A_159 = arith.index_cast %add3A_148 : i32 to index
      %get3A_160 = arith.constant 0 : index
      %get3A_161 = arith.constant 0 : index
      %get3A_162 = vector.load %arg7[%get3A_159, %get3A_160, %get3A_161] : memref<160x8x128xf32, #tpu.memory_space<vmem>>, vector<1x8x128xf32>
      %get3A_163 = vector.shape_cast %get3A_162 : vector<1x8x128xf32> to vector<8x128xf32>
      %get3A_164 = arith.index_cast %add3A_148 : i32 to index
      %get3A_165 = arith.constant 0 : index
      %get3A_166 = arith.constant 0 : index
      %get3A_167 = vector.load %arg8[%get3A_164, %get3A_165, %get3A_166] : memref<160x8x128xf32, #tpu.memory_space<vmem>>, vector<1x8x128xf32>
      %get3A_168 = vector.shape_cast %get3A_167 : vector<1x8x128xf32> to vector<8x128xf32>
      %mul3A_169 = arith.constant 128 : i32
      %mul3A_170 = arith.muli %add3A_148, %mul3A_169 : i32
      %get3A_171 = arith.constant 0 : index
      %get3A_172 = arith.index_cast %mul3A_170 : i32 to index
      %get3A_173 = vector.load %arg11[%get3A_171, %get3A_172] : memref<8x20480xf32, #tpu.memory_space<vmem>>, vector<8x128xf32>
      %mul3A_174 = arith.mulf %get3A_153, %get3A_5 : vector<8x128xf32>
      %add3A_175 = arith.addf %get3A_168, %mul3A_174 : vector<8x128xf32>
      %mul3A_176 = arith.mulf %get3A_158, %get3A_25 : vector<8x128xf32>
      %add3A_177 = arith.addf %add3A_175, %mul3A_176 : vector<8x128xf32>
      %mul3A_178 = arith.mulf %get3A_163, %get3A_45 : vector<8x128xf32>
      %add3A_179 = arith.addf %add3A_177, %mul3A_178 : vector<8x128xf32>
      %add3A_180 = arith.addf %add3A_179, %get3A_65 : vector<8x128xf32>
      %min3A = arith.minimumf %scan3A_142, %add3A_180 : vector<8x128xf32>
      %min3A_181 = arith.minimumf %get3A_173, %add3A_180 : vector<8x128xf32>
      %mul3A_182 = arith.mulf %get3A_153, %get3A_10 : vector<8x128xf32>
      %add3A_183 = arith.addf %get3A_168, %mul3A_182 : vector<8x128xf32>
      %mul3A_184 = arith.mulf %get3A_158, %get3A_30 : vector<8x128xf32>
      %add3A_185 = arith.addf %add3A_183, %mul3A_184 : vector<8x128xf32>
      %mul3A_186 = arith.mulf %get3A_163, %get3A_50 : vector<8x128xf32>
      %add3A_187 = arith.addf %add3A_185, %mul3A_186 : vector<8x128xf32>
      %add3A_188 = arith.addf %add3A_187, %get3A_70 : vector<8x128xf32>
      %min3A_189 = arith.minimumf %scan3A_143, %add3A_188 : vector<8x128xf32>
      %min3A_190 = arith.minimumf %min3A_181, %add3A_188 : vector<8x128xf32>
      %mul3A_191 = arith.mulf %get3A_153, %get3A_15 : vector<8x128xf32>
      %add3A_192 = arith.addf %get3A_168, %mul3A_191 : vector<8x128xf32>
      %mul3A_193 = arith.mulf %get3A_158, %get3A_35 : vector<8x128xf32>
      %add3A_194 = arith.addf %add3A_192, %mul3A_193 : vector<8x128xf32>
      %mul3A_195 = arith.mulf %get3A_163, %get3A_55 : vector<8x128xf32>
      %add3A_196 = arith.addf %add3A_194, %mul3A_195 : vector<8x128xf32>
      %add3A_197 = arith.addf %add3A_196, %get3A_75 : vector<8x128xf32>
      %min3A_198 = arith.minimumf %scan3A_144, %add3A_197 : vector<8x128xf32>
      %min3A_199 = arith.minimumf %min3A_190, %add3A_197 : vector<8x128xf32>
      %mul3A_200 = arith.mulf %get3A_153, %get3A_20 : vector<8x128xf32>
      %add3A_201 = arith.addf %get3A_168, %mul3A_200 : vector<8x128xf32>
      %mul3A_202 = arith.mulf %get3A_158, %get3A_40 : vector<8x128xf32>
      %add3A_203 = arith.addf %add3A_201, %mul3A_202 : vector<8x128xf32>
      %mul3A_204 = arith.mulf %get3A_163, %get3A_60 : vector<8x128xf32>
      %add3A_205 = arith.addf %add3A_203, %mul3A_204 : vector<8x128xf32>
      %add3A_206 = arith.addf %add3A_205, %get3A_80 : vector<8x128xf32>
      %min3A_207 = arith.minimumf %scan3A_145, %add3A_206 : vector<8x128xf32>
      %min3A_208 = arith.minimumf %min3A_199, %add3A_206 : vector<8x128xf32>
      %mul3A_209 = arith.constant 128 : i32
      %mul3A_210 = arith.muli %add3A_148, %mul3A_209 : i32
      %swap3A = arith.constant 0 : index
      %swap3A_211 = arith.index_cast %mul3A_210 : i32 to index
      %swap3A_212 = vector.load %arg11[%swap3A, %swap3A_211] : memref<8x20480xf32, #tpu.memory_space<vmem>>, vector<8x128xf32>
      tpu.vector_store %arg11[%swap3A, %swap3A_211], %min3A_208 {strides = array<i32>} : memref<8x20480xf32, #tpu.memory_space<vmem>>, vector<8x128xf32>,
      %mul3A_213 = arith.constant 2 : i32
      %mul3A_214 = arith.muli %scan3A_141, %mul3A_213 : i32
      %add3A_215 = arith.constant 1 : i32
      %add3A_216 = arith.addi %mul3A_214, %add3A_215 : i32
      %get3A_217 = arith.index_cast %add3A_216 : i32 to index
      %get3A_218 = arith.constant 0 : index
      %get3A_219 = arith.constant 0 : index
      %get3A_220 = vector.load %arg5[%get3A_217, %get3A_218, %get3A_219] : memref<160x8x128xf32, #tpu.memory_space<vmem>>, vector<1x8x128xf32>
      %get3A_221 = vector.shape_cast %get3A_220 : vector<1x8x128xf32> to vector<8x128xf32>
      %get3A_222 = arith.index_cast %add3A_216 : i32 to index
      %get3A_223 = arith.constant 0 : index
      %get3A_224 = arith.constant 0 : index
      %get3A_225 = vector.load %arg6[%get3A_222, %get3A_223, %get3A_224] : memref<160x8x128xf32, #tpu.memory_space<vmem>>, vector<1x8x128xf32>
      %get3A_226 = vector.shape_cast %get3A_225 : vector<1x8x128xf32> to vector<8x128xf32>
      %get3A_227 = arith.index_cast %add3A_216 : i32 to index
      %get3A_228 = arith.constant 0 : index
      %get3A_229 = arith.constant 0 : index
      %get3A_230 = vector.load %arg7[%get3A_227, %get3A_228, %get3A_229] : memref<160x8x128xf32, #tpu.memory_space<vmem>>, vector<1x8x128xf32>
      %get3A_231 = vector.shape_cast %get3A_230 : vector<1x8x128xf32> to vector<8x128xf32>
      %get3A_232 = arith.index_cast %add3A_216 : i32 to index
      %get3A_233 = arith.constant 0 : index
      %get3A_234 = arith.constant 0 : index
      %get3A_235 = vector.load %arg8[%get3A_232, %get3A_233, %get3A_234] : memref<160x8x128xf32, #tpu.memory_space<vmem>>, vector<1x8x128xf32>
      %get3A_236 = vector.shape_cast %get3A_235 : vector<1x8x128xf32> to vector<8x128xf32>
      %mul3A_237 = arith.constant 128 : i32
      %mul3A_238 = arith.muli %add3A_216, %mul3A_237 : i32
      %get3A_239 = arith.constant 0 : index
      %get3A_240 = arith.index_cast %mul3A_238 : i32 to index
      %get3A_241 = vector.load %arg11[%get3A_239, %get3A_240] : memref<8x20480xf32, #tpu.memory_space<vmem>>, vector<8x128xf32>
      %mul3A_242 = arith.mulf %get3A_221, %get3A_5 : vector<8x128xf32>
      %add3A_243 = arith.addf %get3A_236, %mul3A_242 : vector<8x128xf32>
      %mul3A_244 = arith.mulf %get3A_226, %get3A_25 : vector<8x128xf32>
      %add3A_245 = arith.addf %add3A_243, %mul3A_244 : vector<8x128xf32>
      %mul3A_246 = arith.mulf %get3A_231, %get3A_45 : vector<8x128xf32>
      %add3A_247 = arith.addf %add3A_245, %mul3A_246 : vector<8x128xf32>
      %add3A_248 = arith.addf %add3A_247, %get3A_65 : vector<8x128xf32>
      %min3A_249 = arith.minimumf %min3A, %add3A_248 : vector<8x128xf32>
      %min3A_250 = arith.minimumf %get3A_241, %add3A_248 : vector<8x128xf32>
      %mul3A_251 = arith.mulf %get3A_221, %get3A_10 : vector<8x128xf32>
      %add3A_252 = arith.addf %get3A_236, %mul3A_251 : vector<8x128xf32>
      %mul3A_253 = arith.mulf %get3A_226, %get3A_30 : vector<8x128xf32>
      %add3A_254 = arith.addf %add3A_252, %mul3A_253 : vector<8x128xf32>
      %mul3A_255 = arith.mulf %get3A_231, %get3A_50 : vector<8x128xf32>
      %add3A_256 = arith.addf %add3A_254, %mul3A_255 : vector<8x128xf32>
      %add3A_257 = arith.addf %add3A_256, %get3A_70 : vector<8x128xf32>
      %min3A_258 = arith.minimumf %min3A_189, %add3A_257 : vector<8x128xf32>
      %min3A_259 = arith.minimumf %min3A_250, %add3A_257 : vector<8x128xf32>
      %mul3A_260 = arith.mulf %get3A_221, %get3A_15 : vector<8x128xf32>
      %add3A_261 = arith.addf %get3A_236, %mul3A_260 : vector<8x128xf32>
      %mul3A_262 = arith.mulf %get3A_226, %get3A_35 : vector<8x128xf32>
      %add3A_263 = arith.addf %add3A_261, %mul3A_262 : vector<8x128xf32>
      %mul3A_264 = arith.mulf %get3A_231, %get3A_55 : vector<8x128xf32>
      %add3A_265 = arith.addf %add3A_263, %mul3A_264 : vector<8x128xf32>
      %add3A_266 = arith.addf %add3A_265, %get3A_75 : vector<8x128xf32>
      %min3A_267 = arith.minimumf %min3A_198, %add3A_266 : vector<8x128xf32>
      %min3A_268 = arith.minimumf %min3A_259, %add3A_266 : vector<8x128xf32>
      %mul3A_269 = arith.mulf %get3A_221, %get3A_20 : vector<8x128xf32>
      %add3A_270 = arith.addf %get3A_236, %mul3A_269 : vector<8x128xf32>
      %mul3A_271 = arith.mulf %get3A_226, %get3A_40 : vector<8x128xf32>
      %add3A_272 = arith.addf %add3A_270, %mul3A_271 : vector<8x128xf32>
      %mul3A_273 = arith.mulf %get3A_231, %get3A_60 : vector<8x128xf32>
      %add3A_274 = arith.addf %add3A_272, %mul3A_273 : vector<8x128xf32>
      %add3A_275 = arith.addf %add3A_274, %get3A_80 : vector<8x128xf32>
      %min3A_276 = arith.minimumf %min3A_207, %add3A_275 : vector<8x128xf32>
      %min3A_277 = arith.minimumf %min3A_268, %add3A_275 : vector<8x128xf32>
      %mul3A_278 = arith.constant 128 : i32
      %mul3A_279 = arith.muli %add3A_216, %mul3A_278 : i32
      %swap3A_280 = arith.constant 0 : index
      %swap3A_281 = arith.index_cast %mul3A_279 : i32 to index
      %swap3A_282 = vector.load %arg11[%swap3A_280, %swap3A_281] : memref<8x20480xf32, #tpu.memory_space<vmem>>, vector<8x128xf32>
      tpu.vector_store %arg11[%swap3A_280, %swap3A_281], %min3A_277 {strides = array<i32>} : memref<8x20480xf32, #tpu.memory_space<vmem>>, vector<8x128xf32>,
      scf.yield %min3A_249, %min3A_258, %min3A_267, %min3A_276 : vector<8x128xf32>, vector<8x128xf32>, vector<8x128xf32>, vector<8x128xf32>
    }
    %scan3A_92 = arith.constant 80 : i32
    %reduce_min3A = arith.constant dense<0x7F800000> : vector<8xf32>
    %reduce_min3A_93 = vector.multi_reduction <minimumf>, %scan3A_91#0, %reduce_min3A [1] : vector<8x128xf32> to vector<8xf32>
    %broadcast_in_dim3A_94 = vector.shape_cast %reduce_min3A_93 : vector<8xf32> to vector<8x1xf32>
    %reduce_sum3A = vector.shape_cast %broadcast_in_dim3A_94 : vector<8x1xf32> to vector<1x8x1xf32>
    %reduce_sum3A_95 = arith.constant dense<0.000000e+00> : vector<1xf32>
    %reduce_sum3A_96 = vector.multi_reduction <add>, %reduce_sum3A, %reduce_sum3A_95 [1, 2] : vector<1x8x1xf32> to vector<1xf32>
    %reduce_sum3A_97 = vector.shape_cast %reduce_sum3A_96 : vector<1xf32> to vector<1x1x1xf32>
    %reduce_sum3A_98 = vector.extract %reduce_sum3A_97[0, 0, 0] : f32 from vector<1x1x1xf32>
    %add3A = arith.constant 0.000000e+00 : f32
    %add3A_99 = arith.addf %add3A, %reduce_sum3A_98 : f32
    %reduce_min3A_100 = arith.constant dense<0x7F800000> : vector<8xf32>
    %reduce_min3A_101 = vector.multi_reduction <minimumf>, %scan3A_91#1, %reduce_min3A_100 [1] : vector<8x128xf32> to vector<8xf32>
    %broadcast_in_dim3A_102 = vector.shape_cast %reduce_min3A_101 : vector<8xf32> to vector<8x1xf32>
    %reduce_sum3A_103 = vector.shape_cast %broadcast_in_dim3A_102 : vector<8x1xf32> to vector<1x8x1xf32>
    %reduce_sum3A_104 = arith.constant dense<0.000000e+00> : vector<1xf32>
    %reduce_sum3A_105 = vector.multi_reduction <add>, %reduce_sum3A_103, %reduce_sum3A_104 [1, 2] : vector<1x8x1xf32> to vector<1xf32>
    %reduce_sum3A_106 = vector.shape_cast %reduce_sum3A_105 : vector<1xf32> to vector<1x1x1xf32>
    %reduce_sum3A_107 = vector.extract %reduce_sum3A_106[0, 0, 0] : f32 from vector<1x1x1xf32>
    %add3A_108 = arith.addf %add3A_99, %reduce_sum3A_107 : f32
    %reduce_min3A_109 = arith.constant dense<0x7F800000> : vector<8xf32>
    %reduce_min3A_110 = vector.multi_reduction <minimumf>, %scan3A_91#2, %reduce_min3A_109 [1] : vector<8x128xf32> to vector<8xf32>
    %broadcast_in_dim3A_111 = vector.shape_cast %reduce_min3A_110 : vector<8xf32> to vector<8x1xf32>
    %reduce_sum3A_112 = vector.shape_cast %broadcast_in_dim3A_111 : vector<8x1xf32> to vector<1x8x1xf32>
    %reduce_sum3A_113 = arith.constant dense<0.000000e+00> : vector<1xf32>
    %reduce_sum3A_114 = vector.multi_reduction <add>, %reduce_sum3A_112, %reduce_sum3A_113 [1, 2] : vector<1x8x1xf32> to vector<1xf32>
    %reduce_sum3A_115 = vector.shape_cast %reduce_sum3A_114 : vector<1xf32> to vector<1x1x1xf32>
    %reduce_sum3A_116 = vector.extract %reduce_sum3A_115[0, 0, 0] : f32 from vector<1x1x1xf32>
    %add3A_117 = arith.addf %add3A_108, %reduce_sum3A_116 : f32
    %reduce_min3A_118 = arith.constant dense<0x7F800000> : vector<8xf32>
    %reduce_min3A_119 = vector.multi_reduction <minimumf>, %scan3A_91#3, %reduce_min3A_118 [1] : vector<8x128xf32> to vector<8xf32>
    %broadcast_in_dim3A_120 = vector.shape_cast %reduce_min3A_119 : vector<8xf32> to vector<8x1xf32>
    %reduce_sum3A_121 = vector.shape_cast %broadcast_in_dim3A_120 : vector<8x1xf32> to vector<1x8x1xf32>
    %reduce_sum3A_122 = arith.constant dense<0.000000e+00> : vector<1xf32>
    %reduce_sum3A_123 = vector.multi_reduction <add>, %reduce_sum3A_121, %reduce_sum3A_122 [1, 2] : vector<1x8x1xf32> to vector<1xf32>
    %reduce_sum3A_124 = vector.shape_cast %reduce_sum3A_123 : vector<1xf32> to vector<1x1x1xf32>
    %reduce_sum3A_125 = vector.extract %reduce_sum3A_124[0, 0, 0] : f32 from vector<1x1x1xf32>
    %add3A_126 = arith.addf %add3A_117, %reduce_sum3A_125 : f32
    %reshape3A = vector.broadcast %add3A_126 : f32 to vector<1x1xf32>
    %eq3A_127 = arith.constant 0 : i32
    %eq3A_128 = arith.cmpi eq, %arg0, %eq3A_127 : i32
    %convert_element_type3A_129 = arith.extui %eq3A_128 : i1 to i32
    %cond3A_130 = arith.constant 0 : i32
    %cond3A_131 = arith.cmpi ne, %convert_element_type3A_129, %cond3A_130 : i32
    scf.if %cond3A_131 {
      %swap3A = arith.constant 0 : index
      %swap3A_141 = arith.constant 0 : index
      %swap3A_142 = vector.load %arg9[%swap3A, %swap3A_141] : memref<1x1xf32, #tpu.memory_space<vmem>>, vector<1x1xf32>
      tpu.vector_store %arg9[%swap3A, %swap3A_141], %reshape3A {strides = array<i32>} : memref<1x1xf32, #tpu.memory_space<vmem>>, vector<1x1xf32>,
    } else {
    }
    %gt3A = arith.constant 0 : i32
    %gt3A_132 = arith.cmpi sgt, %arg0, %gt3A : i32
    %convert_element_type3A_133 = arith.extui %gt3A_132 : i1 to i32
    %cond3A_134 = arith.constant 0 : i32
    %cond3A_135 = arith.cmpi ne, %convert_element_type3A_133, %cond3A_134 : i32
    scf.if %cond3A_135 {
      %get3A_141 = arith.constant 0 : index
      %get3A_142 = arith.constant 0 : index
      %get3A_143 = vector.load %arg9[%get3A_141, %get3A_142] : memref<1x1xf32, #tpu.memory_space<vmem>>, vector<1x1xf32>
      %add3A_144 = arith.addf %get3A_143, %reshape3A : vector<1x1xf32>
      %swap3A = arith.constant 0 : index
      %swap3A_145 = arith.constant 0 : index
      %swap3A_146 = vector.load %arg9[%swap3A, %swap3A_145] : memref<1x1xf32, #tpu.memory_space<vmem>>, vector<1x1xf32>
      tpu.vector_store %arg9[%swap3A, %swap3A_145], %add3A_144 {strides = array<i32>} : memref<1x1xf32, #tpu.memory_space<vmem>>, vector<1x1xf32>,
    } else {
    }
    %eq3A_136 = arith.constant 379 : i32
    %eq3A_137 = arith.cmpi eq, %arg0, %eq3A_136 : i32
    %convert_element_type3A_138 = arith.extui %eq3A_137 : i1 to i32
    %cond3A_139 = arith.constant 0 : i32
    %cond3A_140 = arith.cmpi ne, %convert_element_type3A_138, %cond3A_139 : i32
    scf.if %cond3A_140 {
      %scan3A_141 = arith.constant 0 : i32
      %scan3A_142 = arith.constant 160 : i32
      %scan3A_143 = arith.addi %scan3A_141, %scan3A_142 : i32
      %scan3A_144 = arith.constant 1 : i32
      scf.for %scan3A_146 = %scan3A_141 to %scan3A_143 step %scan3A_144  : i32 {
        %mul3A = arith.constant 128 : i32
        %mul3A_147 = arith.muli %scan3A_146, %mul3A : i32
        %get3A_148 = arith.constant 0 : index
        %get3A_149 = arith.index_cast %mul3A_147 : i32 to index
        %get3A_150 = vector.load %arg11[%get3A_148, %get3A_149] : memref<8x20480xf32, #tpu.memory_space<vmem>>, vector<8x128xf32>
        %reduce_min3A_151 = arith.constant dense<0x7F800000> : vector<128xf32>
        %reduce_min3A_152 = vector.multi_reduction <minimumf>, %get3A_150, %reduce_min3A_151 [0] : vector<8x128xf32> to vector<128xf32>
        %broadcast_in_dim3A_153 = vector.shape_cast %reduce_min3A_152 : vector<128xf32> to vector<1x128xf32>
        %swap3A = arith.index_cast %scan3A_146 : i32 to index
        %swap3A_154 = arith.constant 0 : index
        %swap3A_155 = arith.constant 0 : index
        %swap3A_156 = vector.load %arg10[%swap3A, %swap3A_154, %swap3A_155] : memref<160x1x128xf32, #tpu.memory_space<vmem>>, vector<1x1x128xf32>
        %swap3A_157 = vector.shape_cast %swap3A_156 : vector<1x1x128xf32> to vector<1x128xf32>
        %swap3A_158 = vector.shape_cast %broadcast_in_dim3A_153 : vector<1x128xf32> to vector<1x1x128xf32>
        tpu.vector_store %arg10[%swap3A, %swap3A_154, %swap3A_155], %swap3A_158 {strides = array<i32>} : memref<160x1x128xf32, #tpu.memory_space<vmem>>, vector<1x1x128xf32>,
      }
      %scan3A_145 = arith.constant 160 : i32
    } else {
    }
    return
  }
  func.func @transform_0(%arg0: i32) -> (i32, i32, i32) {
    %c0_i32 = arith.constant 0 : i32
    %c0_i32_0 = arith.constant 0 : i32
    %c0_i32_1 = arith.constant 0 : i32
    return %arg0, %c0_i32, %c0_i32_0 : i32, i32, i32
  }
  func.func @transform_1(%arg0: i32) -> (i32, i32, i32) {
    %c0_i32 = arith.constant 0 : i32
    %c0_i32_0 = arith.constant 0 : i32
    %c0_i32_1 = arith.constant 0 : i32
    return %arg0, %c0_i32, %c0_i32_0 : i32, i32, i32
  }
  func.func @transform_2(%arg0: i32) -> (i32, i32, i32) {
    %c0_i32 = arith.constant 0 : i32
    %c0_i32_0 = arith.constant 0 : i32
    %c0_i32_1 = arith.constant 0 : i32
    return %arg0, %c0_i32, %c0_i32_0 : i32, i32, i32
  }
  func.func @transform_3(%arg0: i32) -> (i32, i32, i32) {
    %c0_i32 = arith.constant 0 : i32
    %c0_i32_0 = arith.constant 0 : i32
    %c0_i32_1 = arith.constant 0 : i32
    return %arg0, %c0_i32, %c0_i32_0 : i32, i32, i32
  }
  func.func @transform_4(%arg0: i32) -> (i32, i32, i32) {
    %c0_i32 = arith.constant 0 : i32
    %c0_i32_0 = arith.constant 0 : i32
    %c0_i32_1 = arith.constant 0 : i32
    %c0_i32_2 = arith.constant 0 : i32
    return %c0_i32, %c0_i32_0, %c0_i32_1 : i32, i32, i32
  }
  func.func @transform_5(%arg0: i32) -> (i32, i32, i32) {
    %c0_i32 = arith.constant 0 : i32
    %c0_i32_0 = arith.constant 0 : i32
    %c0_i32_1 = arith.constant 0 : i32
    %c0_i32_2 = arith.constant 0 : i32
    return %c0_i32, %c0_i32_0, %c0_i32_1 : i32, i32, i32
  }
  func.func @transform_6(%arg0: i32) -> (i32, i32, i32) {
    %c0_i32 = arith.constant 0 : i32
    %c0_i32_0 = arith.constant 0 : i32
    %c0_i32_1 = arith.constant 0 : i32
    %c0_i32_2 = arith.constant 0 : i32
    return %c0_i32, %c0_i32_0, %c0_i32_1 : i32, i32, i32
  }
  func.func @transform_7(%arg0: i32) -> (i32, i32, i32) {
    %c0_i32 = arith.constant 0 : i32
    %c0_i32_0 = arith.constant 0 : i32
    %c0_i32_1 = arith.constant 0 : i32
    %c0_i32_2 = arith.constant 0 : i32
    return %c0_i32, %c0_i32_0, %c0_i32_1 : i32, i32, i32
  }
  func.func @transform_8(%arg0: i32) -> (i32, i32) {
    %c0_i32 = arith.constant 0 : i32
    %c0_i32_0 = arith.constant 0 : i32
    %c0_i32_1 = arith.constant 0 : i32
    return %c0_i32, %c0_i32_0 : i32, i32
  }
  func.func @transform_9(%arg0: i32) -> (i32, i32, i32) {
    %c0_i32 = arith.constant 0 : i32
    %c0_i32_0 = arith.constant 0 : i32
    %c0_i32_1 = arith.constant 0 : i32
    %c0_i32_2 = arith.constant 0 : i32
    return %c0_i32, %c0_i32_0, %c0_i32_1 : i32, i32, i32
  }
}

</mosaic_0001>

<sc_bundles>
// kernel: kernel.5.cloned.1.call-start
scs
__scs_entry_jumppad:
0x0: {  	(pc) =	sbr.rel $0x88, $3  }
0x1: {  	(tag) =	ssettag $0x0;
	lr =	simm.s32 $0x1  }
0x2: {  	[smem:$0x3F9F] =	sst lr;
	_ =	strace $0xD0000000  }
0x3: {  	_ = 	snop  }
0x4: {  	_ = 	snop  }
0x5: {  	_ = 	snop  }
0x6: {  	_ = 	snop  }
0x7: {  	_ = 	snop  }
__scs_overlays_trampoline_lowered:
0x8: {  	[smem:$0x3FAE] =	sst s0  }
0x9: {  	[smem:$0x3FAF] =	sst s1  }
0xa: {  	[smem:$0x3FB0] =	sst s2  }
0xb: {  	[smem:$0x3FB1] =	sst s3  }
0xc: {  	[smem:$0x3FB2] =	sst s4  }
0xd: {  	[smem:$0x3FB3] =	sst s5  }
0xe: {  	[smem:$0x3FB4] =	sst s6  }
0xf: {  	[smem:$0x3FB5] =	sst s7  }
0x10: {  	[smem:$0x3FB6] =	sst s8  }
0x11: {  	[smem:$0x3FB7] =	sst s9;
	s0 =	simm.s32 @!p0 $0x0  }
0x12: {  	s1 =	sld [smem:$0x3F9D];
	s0 =	simm.s32 @p0 $0x1  }
0x13: {  	[smem:$0x3FB8] =	sst s0;
	s0 =	simm.s32 @!p1 $0x0  }
0x14: {  	s2 =	sld [smem:$0x3F9C];
	s0 =	simm.s32 @p1 $0x1  }
0x15: {  	[smem:$0x3FB9] =	sst s0;
	s0 =	simm.s32 @!p2 $0x0  }
0x16: {  	s3 =	sld [smem:$0x3FDB];
	s0 =	simm.s32 @p2 $0x1  }
0x17: {  	s4 =	simm.s32 $0x1BF5;
	[smem:$0x3FBB] =	sst s0  }
0x18: {  	s0 =	sld [smem:$0x3F9E];
	_ =	swait.ge [sflag:s4], $0x0  }
0x19: {  	s7 =	sld [smem:$0x3F9F]  }
0x1a: {  	s8 =	sadd.s32 $0xFFFFE003, lr  }
0x1b: {  	s9 =	sadd.s32 $0xFFFFFEF7, lr;
	s5 =	simm.s32 $0xFFFFFFFF;
	p2 =	slt.u32 s8, $0xFFFFF086  }
0x1c: {  	p1 =	slt.u32 s9, $0xF7A;
	s5 =	simm.s32 @!p2 $0x0  }
0x1d: {  	s5 =	simm.s32 @p1 $0x1;
	p0 =	seq.s32 s7, s2  }
0x1e: {  	s7 =	smul.u32 @!p0 $0xF7A, s2;
	p2 =	seq.s32 @!p0 s5, $0x0  }
0x1f: {  	s9 =	smul.u32 $0xF7A, s1;
	s8 =	simm.s32 @!p0 $0x1BF5;
	p2 =	por !p2, p0  }
0x20: {  	[sflag:s8] =	ssyncset.s32 @!p0 $0xFFFFF086;
	s6 =	sadd.s32 @!p0 s3, s7;
	s7 =	simm.s32 @!p0 $0x108  }
0x21: {  	s3 =	sadd.s32 s3, s9;
	s6 =	sadd.s32 @!p0 $0x88, s6;
	s7 =	simm.s32 @p2 $0x1082  }
0x22: {  	[simem:s7], [sflag:s8] =	dma.local @!p0 [hbm:s6], $0xF7A  }
0x23: {  	s9 =	sor.u32 $0xD0000000, s2;
	s6 =	simm.s32 $0x108;
	_ =	swait.ge @!p0 [sflag:s8], $0x0  }
0x24: {  	s3 =	sadd.s32 $0x88, s3;
	s6 =	simm.s32 @!p1 $0x1082;
	[sflag:s4] =	ssyncset.s32 $0xFFFFF086  }
0x25: {  	[simem:s6], [sflag:s4] =	dma.local [hbm:s3], $0xF7A  }
0x26: {  	[smem:$0x3F9F] =	sst s1;
	(tag) =	ssettag s2;
	_ =	strace s9  }
0x27: {  	s1 =	sld [smem:$0x3FAF]  }
0x28: {  	s2 =	sld [smem:$0x3FB0]  }
0x29: {  	s4 =	sld [smem:$0x3FB2]  }
0x2a: {  	p0 =	seq.s32 s5, $0x0;
	s5 =	sld [smem:$0x3FB3]  }
0x2b: {  	s6 =	sld [smem:$0x3FB4]  }
0x2c: {  	s7 =	sld [smem:$0x3FB5]  }
0x2d: {  	s3 =	simm.s32 $0x108;
	s8 =	sld [smem:$0x3FB6]  }
0x2e: {  	s3 =	simm.s32 @!p0 $0x1082;
	s9 =	sld [smem:$0x3FB7]  }
0x2f: {  	lr =	sadd.s32 s0, s3;
	s0 =	sld [smem:$0x3FAE]  }
0x30: {  	s3 =	sld [smem:$0x3FB1]  }
0x31: {  	[smem:$0x3FBA] =	sst s10  }
0x32: {  	s10 =	sld [smem:$0x3FB8];
	_ =	sdelay $0x3  }
0x33: {  	p0 =	seq.s32 s10, $0x1;
	s10 =	sld [smem:$0x3FBA];
	_ =	sdelay $0x3  }
0x34: {  	[smem:$0x3FBA] =	sst s10  }
0x35: {  	s10 =	sld [smem:$0x3FB9];
	_ =	sdelay $0x3  }
0x36: {  	p1 =	seq.s32 s10, $0x1;
	s10 =	sld [smem:$0x3FBA];
	_ =	sdelay $0x3  }
0x37: {  	[smem:$0x3FBA] =	sst s10  }
0x38: {  	s10 =	sld [smem:$0x3FBB]  }
0x39: {  	_ = 	snop;
	(pc) =	sbr.ind lr, $3  }
0x3a: {  	_ = 	snop  }
0x3b: {  	_ = 	snop  }
0x3c: {  	p2 =	seq.s32 s10, $0x1;
	s10 =	sld [smem:$0x3FBA]  }
0x3d: {  	_ =	shalt  }
0x3e: {  	_ =	shalt  }
0x3f: {  	_ =	shalt  }
0x40: {  	_ =	shalt  }
0x41: {  	_ =	shalt  }
0x42: {  	_ =	shalt  }
0x43: {  	_ =	shalt  }
0x44: {  	_ =	shalt  }
0x45: {  	_ =	shalt  }
0x46: {  	_ =	shalt  }
0x47: {  	_ =	shalt  }
0x48: {  	_ =	shalt  }
0x49: {  	_ =	shalt  }
0x4a: {  	_ =	shalt  }
0x4b: {  	_ =	shalt  }
0x4c: {  	_ =	shalt  }
0x4d: {  	_ =	shalt  }
0x4e: {  	_ =	shalt  }
0x4f: {  	_ =	shalt  }
0x50: {  	_ =	shalt  }
0x51: {  	_ =	shalt  }
0x52: {  	_ =	shalt  }
0x53: {  	_ =	shalt  }
0x54: {  	_ =	shalt  }
0x55: {  	_ =	shalt  }
0x56: {  	_ =	shalt  }
0x57: {  	_ =	shalt  }
0x58: {  	_ =	shalt  }
0x59: {  	_ =	shalt  }
0x5a: {  	_ =	shalt  }
0x5b: {  	_ =	shalt  }
0x5c: {  	_ =	shalt  }
0x5d: {  	_ =	shalt  }
0x5e: {  	_ =	shalt  }
0x5f: {  	_ =	shalt  }
0x60: {  	_ =	shalt  }
0x61: {  	_ =	shalt  }
0x62: {  	_ =	shalt  }
0x63: {  	_ =	shalt  }
0x64: {  	_ =	shalt  }
0x65: {  	_ =	shalt  }
0x66: {  	_ =	shalt  }
0x67: {  	_ =	shalt  }
0x68: {  	_ =	shalt  }
0x69: {  	_ =	shalt  }
0x6a: {  	_ =	shalt  }
0x6b: {  	_ =	shalt  }
0x6c: {  	_ =	shalt  }
0x6d: {  	_ =	shalt  }
0x6e: {  	_ =	shalt  }
0x6f: {  	_ =	shalt  }
0x70: {  	_ =	shalt  }
0x71: {  	_ =	shalt  }
0x72: {  	_ =	shalt  }
0x73: {  	_ =	shalt  }
0x74: {  	_ =	shalt  }
0x75: {  	_ =	shalt  }
0x76: {  	_ =	shalt  }
0x77: {  	_ =	shalt  }
0x78: {  	_ =	shalt  }
0x79: {  	_ =	shalt  }
0x7a: {  	_ =	shalt  }
0x7b: {  	_ =	shalt  }
0x7c: {  	_ =	shalt  }
0x7d: {  	_ =	shalt  }
0x7e: {  	_ =	shalt  }
0x7f: {  	_ =	shalt  }
0x80: {  	_ =	shalt  }
0x81: {  	_ =	shalt  }
0x82: {  	_ =	shalt  }
0x83: {  	_ =	shalt  }
0x84: {  	_ =	shalt  }
0x85: {  	_ =	shalt  }
0x86: {  	_ =	shalt  }
0x87: {  	_ =	shalt  }
.Lfunc_end0:
.L_simem_size_0:
called_computation_lowered:
.L_overlay_start_0:
0x88: {  	s2 =	sld [smem:$0x3FD9]  }
0x89: {  	s3 =	sld [smem:$0x3FFE];
	_ =	sdelay $0x1  }
0x8a: {  	s1 =	srdreg.scid  }
0x8b: {  	s0 =	sand.u32 $0x1, s1  }
0x8c: {  	s16 =	sshll.u32 s0, $0xA;
	s2 =	sadd.s32 s3, s2  }
0x8d: {  	s2 =	sadd.s32 s2, s16  }
0x8e: {  	[smem:$0x3FC6] =	sst s2  }
0x8f: {  	_ = 	snop  }
0x90: {  	(tm) =	ssettm $0x1  }
0x91: {  	s17 =	sld [smem:$0x3FFB];
	_ =	sdelay $0x3  }
0x92: {  	_ =	strace s17  }
0x93: {  	s2 =	sld [smem:$0x3FFC];
	_ =	sdelay $0x3  }
0x94: {  	_ =	strace s2  }
0x95: {  	s2 =	sld [smem:$0x3FFD];
	_ =	sdelay $0x3  }
0x96: {  	_ =	strace s2  }
0x97: {  	_ =	strace $0x8FFFFFFF  }
0x98: {  	s18 =	sld [smem:$0x3FDB];
	_ =	sdelay $0x1  }
0x99: {  	s19 =	simm.s32 $_scs_section_size  }
0x9a: {  	s4 =	simm.s32 $_size__tile_overlayer_lowered;
	s5 =	simm.s32 $_tile_overlayer_lowered  }
0x9b: {  	s22 =	simm.s32 $0x1BFF;
	s21 =	sshll.u32 s5, $0x1;
	s2 =	sadd.s32 s19, s18  }
0x9c: {  	s6 =	simm.s32 $0x0;
	s20 =	sshll.u32 s4, $0x1;
	s4 =	sadd.s32 s21, s2  }
0x9d: {  	[timem:s6], [sflag:s22] =	dma.local [hbm:s4], s20  }
0x9e: {  	_ =	swait.ge [sflag:s22], s20  }
0x9f: {  	s3 =	ssub.s32 $0x0, s20;
	[sflag:s22] =	ssyncset.done $0x0  }
0xa0: {  	[sflag:s22] =	ssyncadd.s32 s3;
	_ =	sdelay $0x1  }
0xa1: {  	s23 =	simm.s32 $0x1B8B  }
0xa2: {  	_ =	swait.ge [sflag:s23], $0x1  }
0xa3: {  	[sflag:s23] =	ssyncset.done $0x0  }
0xa4: {  	s25 =	simm.s32 $0x1B8E;
	s24 =	sld [smem:$0x3FFE];
	[sflag:s23] =	ssyncadd.s32 $0xFFFFFFFF  }
0xa5: {  	s26 =	simm.s32 $execute0_lowered;
	[smem:$0x3FD2] =	sst s25  }
0xa6: {  	s4 =	sshll.u32 s26, $0x1;
	_ =	strace $0x80000046;
	[dreg:$0x1] =	wrdreg $0xFFFFFFFF  }
0xa7: {  	s28 =	simm.s32 $_size_execute0_lowered;
	s2 =	sadd.s32 s2, s4;
	[dreg:$0x0] =	wrdreg $0x0  }
0xa8: {  	s4 =	sshll.u32 s28, $0x1;
	[dreg:$0x2] =	wrdreg s2  }
0xa9: {  	[dreg:$0x3] =	wrdreg s4  }
0xaa: {  	[dreg:$0x4] =	wrdreg $0xC0  }
0xab: {  	_ =	task [dreg:s6], $0x5FFFF  }
0xac: {  	[dreg:$0x1] =	wrdreg $0xFFFFFFFF  }
0xad: {  	[dreg:$0x0] =	wrdreg $0x60  }
0xae: {  	[dreg:$0x2] =	wrdreg s24  }
0xaf: {  	[dreg:$0x3] =	wrdreg $0x9  }
0xb0: {  	_ =	task.clear_ibuf [dreg:s6], $0x4FFFF;
	_ =	strace $0x90000046  }
0xb1: {  	s29 =	simm.s32 $0x9;
	_ =	strace $0x80000048  }
0xb2: {  	_ =	swait.ge [sflag:s29], $0x1  }
0xb3: {  	[sflag:s29] =	ssyncadd.s32 $0xFFFFFFFF  }
0xb4: {  	_ =	strace $0x90000048  }
0xb5: {  	_ =	sfence  }
0xb6: {  	s30 =	sld [smem:$0x0];
	_ =	sdelay $0x2  }
0xb7: {  	s31 =	sshll.u32 s1, $0xD;
	s1 =	sshrl.u32 s1, $0x2  }
0xb8: {  	s3 =	sand.u32 $0x4000, s31;
	s1 =	sadd.s32 s1, s30  }
0xb9: {  	s0 =	sor.u32 s3, s0;
	s1 =	sshll.u32 s1, $0x11  }
0xba: {  	s0 =	sor.u32 s1, s0  }
0xbb: {  	s0 =	sadd.s32 $0x8F2B, s0  }
0xbc: {  	[sflag:s0] =	ssyncadd.remote.s32 $0x1  }
0xbd: {  	_ =	sfence.sel $0xFFFF  }
0xbe: {  	[dreg:$0x0] =	wrdreg $0xFFFFFFFF;
	(pc) =	sbr.abs _section_cstart, $3  }
0xbf: {  	[dreg:$0x1] =	wrdreg $0xFFFFFFFF  }
0xc0: {  	_ =	task.clear_ibuf [dreg:s6], $0x2FFFF;
	_ =	strace $0x9FFFFFFF  }
0xc1: {  	(tm) =	ssettm $0x7FFFFFFF  }
tec
execute0_lowered:
.L_overlay_start_1:
0x0: {  	(tag) =	ssettag $0x1  }
0x1: {  	s0 =	rddreg [dreg:$0x0]  }
0x2: {  	s1 =	srdreg.scid;
	s2 =	simm.s32 $0x0;
	s4 =	stileid.u32  }
0x3: {  	s15 =	simm.s32 $0x1;
	s23 =	simm.s32 $0x19000;
	s24 =	simm.s32 $0x19180  }
0x4: {  	s25 =	simm.s32 $0x80;
	s26 =	simm.s32 $0x400;
	s28 =	simm.s32 $0x13A00  }
0x5: {  	s29 =	simm.s32 $0x0;
	s1 =	sand.u32 $0x1, s1;
	[smem:$0x7FF] =	sst s2  }
0x6: {  	s3 =	sshll.u32 s1, $0x4;
	_ =	strace $0x80000047;
	s1 =	ssub.s32 $0x2, s1  }
0x7: {  	s7 =	sor.u32 s4, s3;
	s4 =	sshll.u32 s4, $0x7;
	s3 =	sadd.s32 $0x2000, s0  }
0x8: {  	s31 =	sshrl.u32 s1, $0x1;
	s5 =	sshrl.u32 s7, $0x3;
	s8 =	sand.u32 $0x380, s4  }
0x9: {  	s4 =	sadd.s32 $0x1600, s0;
	s7 =	smul.u32 $0x1F, s7;
	s1 =	ssub.s32 s1, s31  }
0xa: {  	s6 =	sshll.u32 s5, $0xA;
	s10 =	smul.u32 $0x28000, s5;
	s5 =	sadd.s32 $0xC00, s0  }
0xb: {  	s14 =	smax.u32 s1, $0x1;
	s9 =	sor.u32 s8, s6;
	s6 =	sadd.s32 $0x2E00, s0  }
0xc: {  	s7 =	sadd.s32 s0, s7;
	s9 =	sshrl.u32 s9, $0x3;
	s8 =	sor.u32 s8, s10  }
0xd: {  	s10 =	sadd.s32 $0x2A00, s7;
	s11 =	sadd.s32 $0x3800, s7;
	s8 =	sshrl.u32 s8, $0x3  }
0xe: {  	v0 =	vimm.f32 $3.000000010e+38;
	s12 =	sadd.s32 s9, s0;
	s9 =	sadd.s32 $0x800, s7;
	s13 =	sadd.s32 s8, s0  }
0xf: {  	vm0 =	vcmask $0x300;
	s8 =	sadd.s32 $0x400, s7;
	s12 =	sadd.s32 $0x3C00, s12;
	s13 =	sadd.s32 $0x3E00, s13  }
.LBB2_1:
0x10: {  	[tilespmem:s2], [sflag:$0x1] =	stream.linear.gather [hbm4b:s3+s2], $0x4E80, $0x38;
	[tilespmem:$0x19200] =	vst v63  }
0x11: {  	_ =	swait.ge [sflag:s15], $0x4E80  }
0x12: {  	[sflag:s15] =	ssyncset.done $0x0  }
0x13: {  	s0 =	simm.s32 $0x4E80;
	[sflag:s15] =	ssyncadd.s32 $0xFFFFB180  }
0x14: {  	[tilespmem:s0], [sflag:$0x1] =	stream.linear.gather [hbm4b:s4+s2], $0x4E80, $0x38;
	[tilespmem:$0x19200] =	vst v63  }
0x15: {  	_ =	swait.ge [sflag:s15], $0x4E80  }
0x16: {  	[sflag:s15] =	ssyncset.done $0x0  }
0x17: {  	s19 =	simm.s32 $0x9D00;
	[sflag:s15] =	ssyncadd.s32 $0xFFFFB180  }
0x18: {  	[tilespmem:s19], [sflag:$0x1] =	stream.linear.gather [hbm4b:s5+s2], $0x4E80, $0x38;
	[tilespmem:$0x19200] =	vst v63  }
0x19: {  	_ =	swait.ge [sflag:s15], $0x4E80  }
0x1a: {  	[sflag:s15] =	ssyncset.done $0x0  }
0x1b: {  	s20 =	simm.s32 $0xEB80;
	[sflag:s15] =	ssyncadd.s32 $0xFFFFB180  }
0x1c: {  	[tilespmem:s20], [sflag:$0x1] =	stream.linear.gather [hbm4b:s6+s2], $0x4E80, $0x38;
	[tilespmem:$0x19200] =	vst v63  }
0x1d: {  	_ =	swait.ge [sflag:s15], $0x4E80  }
0x1e: {  	[sflag:s15] =	ssyncset.done $0x0  }
0x1f: {  	s21 =	simm.s32 $0x18A00;
	[sflag:s15] =	ssyncadd.s32 $0xFFFFB180  }
0x20: {  	[tilespmem:s21], [sflag:$0x1] =	stream.linear.gather [hbm4b:s7+s2], $0xF8, $0x38;
	[tilespmem:$0x19200] =	vst v63  }
0x21: {  	_ =	swait.ge [sflag:s15], $0xF8  }
0x22: {  	[sflag:s15] =	ssyncset.done $0x0  }
0x23: {  	s22 =	simm.s32 $0x18B80;
	[sflag:s15] =	ssyncadd.s32 $0xFFFFFF08  }
0x24: {  	[tilespmem:s22], [sflag:$0x1] =	stream.linear.gather [hbm4b:s8+s2], $0xF8, $0x38;
	[tilespmem:$0x19200] =	vst v63  }
0x25: {  	_ =	swait.ge [sflag:s15], $0xF8  }
0x26: {  	[sflag:s15] =	ssyncset.done $0x0  }
0x27: {  	s30 =	simm.s32 $0x18D00;
	[sflag:s15] =	ssyncadd.s32 $0xFFFFFF08  }
0x28: {  	[tilespmem:s30], [sflag:$0x1] =	stream.linear.gather [hbm4b:s9+s2], $0xF8, $0x38;
	[tilespmem:$0x19200] =	vst v63  }
0x29: {  	_ =	swait.ge [sflag:s15], $0xF8  }
0x2a: {  	[sflag:s15] =	ssyncset.done $0x0  }
0x2b: {  	s31 =	simm.s32 $0x18E80;
	[sflag:s15] =	ssyncadd.s32 $0xFFFFFF08  }
0x2c: {  	[tilespmem:s31], [sflag:$0x1] =	stream.linear.gather [hbm4b:s10+s2], $0xF8, $0x38;
	[tilespmem:$0x19200] =	vst v63  }
0x2d: {  	_ =	swait.ge [sflag:s15], $0xF8  }
0x2e: {  	[sflag:s15] =	ssyncset.done $0x0  }
0x2f: {  	[sflag:s15] =	ssyncadd.s32 $0xFFFFFF08  }
0x30: {  	[tilespmem:s23], [sflag:$0x1] =	stream.linear.gather [hbm4b:s11+s2], $0xF8, $0x38;
	[tilespmem:$0x19200] =	vst v63  }
0x31: {  	_ =	swait.ge [sflag:s15], $0xF8  }
0x32: {  	[sflag:s15] =	ssyncset.done $0x0  }
0x33: {  	s1 =	simm.s32 $0x0;
	s0 =	simm.s32 $0x40;
	[sflag:s15] =	ssyncadd.s32 $0xFFFFFF08  }
.LBB2_2:
0x34: {  	p0 =	sne.s32 s0, $0x13840;
	[tilespmem:s1+$0x13A00] =	vst v0;
	s1 =	smov.u32 s0;
	s0 =	sadd.s32 $0x40, s0  }
.Ltmp0:
0x35: {  	(pc) =	sbr.rel @p0 .LBB2_2-.Ltmp0, $2  }
0x36: {  	_ =	sdelay $0x2  }
0x37: {  	s1 =	sshra.s32 s1, $0x2  }
0x38: {  	[tilespmem:s1+$0x13A00] =	vst v0;
	v63 =	vimm.f32 $0.0e+00  }
0x39: {  	[tilespmem:$0x18820] =	vst v63  }
0x3a: {  	[tilespmem:$0x18830] =	vst v63  }
0x3b: {  	[tilespmem:$0x18840] =	vst v63  }
0x3c: {  	[tilespmem:$0x18850] =	vst v63  }
0x3d: {  	[tilespmem:$0x18860] =	vst v63  }
0x3e: {  	[tilespmem:$0x18870] =	vst v63  }
0x3f: {  	[tilespmem:$0x18880] =	vst v63  }
0x40: {  	[tilespmem:$0x18890] =	vst v63  }
0x41: {  	[tilespmem:$0x188A0] =	vst v63  }
0x42: {  	[tilespmem:$0x188B0] =	vst v63  }
0x43: {  	[tilespmem:$0x188C0] =	vst v63  }
0x44: {  	[tilespmem:$0x188D0] =	vst v63  }
0x45: {  	[tilespmem:$0x188E0] =	vst v63  }
0x46: {  	[tilespmem:$0x188F0] =	vst v63  }
0x47: {  	[tilespmem:$0x18900] =	vst v63  }
0x48: {  	[tilespmem:$0x18910] =	vst v63  }
0x49: {  	[tilespmem:$0x18920] =	vst v63  }
0x4a: {  	[tilespmem:$0x18930] =	vst v63  }
0x4b: {  	[tilespmem:$0x18940] =	vst v63  }
0x4c: {  	[tilespmem:$0x18950] =	vst v63  }
0x4d: {  	[tilespmem:$0x18960] =	vst v63  }
0x4e: {  	[tilespmem:$0x18970] =	vst v63  }
0x4f: {  	[tilespmem:$0x18980] =	vst v63  }
0x50: {  	[tilespmem:$0x18990] =	vst v63  }
0x51: {  	[tilespmem:$0x189A0] =	vst v63  }
0x52: {  	[tilespmem:$0x189B0] =	vst v63  }
0x53: {  	[tilespmem:$0x189C0] =	vst v63  }
0x54: {  	[tilespmem:$0x189D0] =	vst v63  }
0x55: {  	[tilespmem:$0x189E0] =	vst v63  }
0x56: {  	s30 =	simm.s32 $0x0;
	s31 =	simm.f32 $0.0e+00;
	[tilespmem:$0x189F0] =	vst v63  }
.LBB2_4:
0x57: {  	s0 =	sshll.u32 s30, $0x3  }
0x58: {  	v25 =	vld [tilespmem:s0+$0x18A00]  }
0x59: {  	v28 =	vld [tilespmem:s0+$0x18B80]  }
0x5a: {  	v35 =	vld [tilespmem:s0+$0x18D00]  }
0x5b: {  	v0 =	vld [tilespmem:s0+$0x18E80];
	_ =	sdelay $0x2  }
0x5c: {  	v1 =	vbroadcast v25, $0x0  }
0x5d: {  	v2 =	vbroadcast v28, $0x0;
	v3 =	vbroadcast v35, $0x0  }
0x5e: {  	v4 =	vbroadcast v0, $0x0;
	v5 =	vbroadcast v25, $0x1  }
0x5f: {  	v6 =	vbroadcast v28, $0x1;
	v7 =	vbroadcast v35, $0x1  }
0x60: {  	v8 =	vbroadcast v0, $0x1;
	v9 =	vbroadcast v25, $0x2  }
0x61: {  	v10 =	vbroadcast v28, $0x2;
	v11 =	vbroadcast v35, $0x2  }
0x62: {  	v13 =	vbroadcast v0, $0x2;
	v14 =	vbroadcast v25, $0x3  }
0x63: {  	v15 =	vbroadcast v28, $0x3;
	v16 =	vbroadcast v35, $0x3  }
0x64: {  	v12 =	vbroadcast v0, $0x3;
	v17 =	vbroadcast v25, $0x4  }
0x65: {  	v21 =	vbroadcast v28, $0x4;
	v23 =	vbroadcast v35, $0x4  }
0x66: {  	s1 =	simm.s32 $0x0;
	v24 =	vbroadcast v25, $0x5;
	v26 =	vbroadcast v28, $0x5  }
0x67: {  	v36 =	vld [tilespmem:s1+$0x10];
	v27 =	vbroadcast v35, $0x5;
	v22 =	vbroadcast v0, $0x5  }
0x68: {  	v29 =	vbroadcast v25, $0x6;
	v30 =	vbroadcast v28, $0x6  }
0x69: {  	v37 =	vld [tilespmem:s1+$0x0];
	v31 =	vbroadcast v35, $0x6;
	v32 =	vbroadcast v0, $0x6  }
0x6a: {  	v33 =	vbroadcast v25, $0x7;
	v34 =	vbroadcast v28, $0x7  }
0x6b: {  	v45 =	vld [tilespmem:s1+$0x4E80];
	v35 =	vbroadcast v35, $0x7;
	v28 =	vbroadcast v0, $0x7  }
0x6c: {  	v44 =	vld [tilespmem:s1+$0x9D10];
	[tilespmem:$0x1FED0] =	vst v12;
	v12 =	vbroadcast v0, $0x4;
	v40 =	vmul.f32 v36, v5  }
0x6d: {  	v43 =	vld [tilespmem:s1+$0x4E90];
	v42 =	vmul.f32 v36, v29;
	v41 =	vmul.f32 v36, v1  }
0x6e: {  	v51 =	vld [tilespmem:s1+$0x9D00];
	v46 =	vmul.f32 v36, v9;
	v47 =	vmul.f32 v37, v5  }
0x6f: {  	v48 =	vmul.f32 v36, v33;
	v49 =	vmul.f32 v36, v24  }
0x70: {  	v39 =	vld [tilespmem:s1+$0xEB90];
	v62 =	vmul.f32 v45, v6;
	v52 =	vmul.f32 v36, v17  }
0x71: {  	v38 =	vld [tilespmem:s1+$0xEB80];
	v54 =	vmul.f32 v44, v11;
	v63 =	vmul.f32 v37, v24  }
0x72: {  	v53 =	vmul.f32 v43, v26;
	v55 =	vmul.f32 v44, v27  }
0x73: {  	[tilespmem:$0x1FEE0] =	vst v0;
	v0 =	vmul.f32 v51, v7;
	v57 =	vmul.f32 v37, v14  }
0x74: {  	v25 =	vimm.f32 $3.000000010e+38;
	[tilespmem:$0x1FF00] =	vst v14;
	v36 =	vmul.f32 v36, v14;
	v58 =	vmul.f32 v45, v26  }
0x75: {  	[tilespmem:$0x1FF10] =	vst v1;
	v1 =	vmul.f32 v37, v1;
	v14 =	vmul.f32 v45, v15;
	v50 =	vadd.f32 v39, v41  }
0x76: {  	v18 =	vmul.f32 v51, v27;
	v46 =	vadd.f32 v39, v46;
	v61 =	vadd.f32 v38, v47  }
0x77: {  	v60 =	vmul.f32 v45, v2;
	v40 =	vadd.f32 v39, v40;
	v49 =	vadd.f32 v39, v49  }
0x78: {  	[tilespmem:$0x1FF50] =	vst v2;
	v2 =	vmul.f32 v43, v2;
	v56 =	vadd.f32 v39, v48;
	v47 =	vadd.f32 v38, v63  }
0x79: {  	v52 =	vadd.f32 v39, v52;
	v19 =	vadd.f32 v38, v1;
	v63 =	vmul.f32 v43, v6  }
0x7a: {  	[tilespmem:$0x1FF30] =	vst v6;
	v36 =	vadd.f32 v39, v36;
	v57 =	vadd.f32 v38, v57;
	v1 =	vmul.f32 v43, v15  }
0x7b: {  	[tilespmem:$0x1FF40] =	vst v15;
	v6 =	vmul.f32 v43, v10;
	v15 =	vmul.f32 v44, v23;
	v41 =	vadd.f32 v61, v62  }
0x7c: {  	[tilespmem:$0x1FEF0] =	vst v5;
	v5 =	vadd.f32 v49, v53;
	v47 =	vadd.f32 v47, v58;
	v61 =	vmul.f32 v45, v21  }
0x7d: {  	v62 =	vmul.f32 v37, v17;
	v58 =	vadd.f32 v19, v60;
	v40 =	vadd.f32 v40, v63  }
0x7e: {  	v36 =	vadd.f32 v36, v1;
	v49 =	vadd.f32 v57, v14;
	v14 =	vmul.f32 v51, v16  }
0x7f: {  	v50 =	vadd.f32 v50, v2;
	v19 =	vmul.f32 v51, v3;
	v63 =	vmul.f32 v37, v9  }
0x80: {  	v46 =	vadd.f32 v46, v6;
	v1 =	vmul.f32 v44, v3;
	v2 =	vmul.f32 v51, v11  }
0x81: {  	v6 =	vmul.f32 v44, v31;
	v59 =	vadd.f32 v41, v0;
	v41 =	vadd.f32 v5, v55  }
0x82: {  	[tilespmem:$0x1FF80] =	vst v9;
	v9 =	vmul.f32 v44, v35;
	v47 =	vadd.f32 v47, v18;
	v55 =	vadd.f32 v39, v42  }
0x83: {  	v0 =	vmul.f32 v43, v21;
	v53 =	vadd.f32 v38, v62;
	v5 =	vmul.f32 v44, v7  }
0x84: {  	[tilespmem:$0x1FF60] =	vst v7;
	v7 =	vmul.f32 v37, v29;
	v18 =	vmul.f32 v45, v30;
	v46 =	vadd.f32 v46, v54  }
0x85: {  	v62 =	vmul.f32 v43, v34;
	v54 =	vadd.f32 v38, v63;
	v39 =	vadd.f32 v52, v0  }
0x86: {  	[tilespmem:$0x1FF20] =	vst v17;
	v43 =	vmul.f32 v43, v30;
	v60 =	vadd.f32 v53, v61;
	v17 =	vadd.f32 v38, v7  }
0x87: {  	v37 =	vmul.f32 v37, v33;
	v48 =	vadd.f32 v40, v5;
	v53 =	vadd.f32 v49, v14  }
0x88: {  	v61 =	vmul.f32 v44, v16;
	v56 =	vadd.f32 v56, v62;
	v55 =	vadd.f32 v55, v43  }
0x89: {  	v0 =	vmul.f32 v45, v10;
	v5 =	vadd.f32 v50, v1;
	v43 =	vadd.f32 v47, v22  }
0x8a: {  	[tilespmem:$0x1FFA0] =	vst v3;
	v3 =	vmin.f32 v25, v47;
	v7 =	vadd.f32 v59, v8;
	v44 =	vadd.f32 v38, v37  }
0x8b: {  	v62 =	vmul.f32 v51, v23;
	v42 =	vadd.f32 v39, v15;
	v40 =	vadd.f32 v17, v18  }
0x8c: {  	v50 =	vmin.f32 v25, v59;
	v39 =	vadd.f32 v58, v19;
	v52 =	vadd.f32 v36, v61  }
0x8d: {  	[tilespmem:$0x1FF90] =	vst v10;
	v61 =	vmul.f32 v51, v31;
	v54 =	vadd.f32 v54, v0;
	v10 =	vadd.f32 v55, v6  }
0x8e: {  	[tilespmem:$0x1FF70] =	vst v16;
	v36 =	vmin.f32 v3, v41;
	v14 =	vadd.f32 v48, v8;
	v16 =	vadd.f32 v5, v4  }
0x8f: {  	v49 =	vadd.f32 v56, v9;
	v18 =	vmin.f32 v25, v53;
	v19 =	vadd.f32 v46, v13  }
0x90: {  	v51 =	vmul.f32 v51, v35;
	v47 =	vadd.f32 v60, v62;
	v61 =	vadd.f32 v40, v61  }
0x91: {  	[tilespmem:$0x1FFB0] =	vst v11;
	v58 =	vmul.f32 v45, v34;
	v63 =	vadd.f32 v54, v2;
	v11 =	vadd.f32 v39, v4  }
0x92: {  	v39 =	vmin.f32 v25, v39;
	v55 =	vadd.f32 v42, v12;
	v37 =	vmin.f32 v16, v14  }
0x93: {  	[tilespmem:$0x1FFC0] =	vst v8;
	v56 =	vadd.f32 v10, v32;
	v40 =	vmin.f32 v39, v5;
	v39 =	vmin.f32 v18, v52  }
0x94: {  	[tilespmem:$0x1FFD0] =	vst v4;
	v59 =	vmin.f32 v37, v19;
	v37 =	vimm.f32 $3.000000010e+38;
	v17 =	vadd.f32 v63, v13  }
0x95: {  	[tilespmem:$0x1FFF0] =	vst v13;
	v15 =	vmin.f32 v11, v7;
	v54 =	vadd.f32 v61, v32;
	v62 =	vmin.f32 v25, v61  }
0x96: {  	s16 =	simm.s32 $0x80;
	[tilespmem:$0x1FFE0] =	vst v12;
	v45 =	vmin.f32 v25, v63;
	v38 =	vmin.f32 v62, v10;
	v57 =	vmin.f32 v15, v17  }
.LBB2_5:
0x97: {  	v0 =	vld [tilespmem:$0x1FED0]  }
0x98: {  	v20 =	vld [tilespmem:$0x1FFE0]  }
0x99: {  	v4 =	vld [tilespmem:$0x1FEF0]  }
0x9a: {  	v8 =	vld [tilespmem:$0x1FF10]  }
0x9b: {  	v6 =	vld [tilespmem:$0x1FF60]  }
0x9c: {  	s17 =	sshra.s32 s16, $0x2;
	v1 =	vadd.f32 v44, v58;
	v58 =	vld [tilespmem:s1+$0x13A10]  }
0x9d: {  	v60 =	vld [tilespmem:s17+$0x10]  }
0x9e: {  	v50 =	vmin.f32 v50, v48;
	v41 =	vadd.f32 v41, v22;
	v48 =	vld [tilespmem:s17+$0x0]  }
0x9f: {  	v45 =	vmin.f32 v45, v46;
	v44 =	vld [tilespmem:s17+$0xEB80];
	v1 =	vadd.f32 v1, v51;
	v12 =	vadd.f32 v52, v0  }
0xa0: {  	v25 =	vmin.f32 v25, v47;
	v51 =	vld [tilespmem:s17+$0x9D10];
	v13 =	vadd.f32 v53, v0;
	v53 =	vadd.f32 v49, v28  }
0xa1: {  	v25 =	vmin.f32 v25, v42;
	v15 =	vadd.f32 v47, v20;
	v18 =	vadd.f32 v1, v28;
	v47 =	vld [tilespmem:s17+$0x4E80]  }
0xa2: {  	v52 =	vld [tilespmem:s17+$0x4E90];
	v1 =	vmin.f32 v37, v1;
	v5 =	vmul.f32 v60, v4;
	v7 =	vmul.f32 v60, v8  }
0xa3: {  	v61 =	vmul.f32 v60, v33;
	v37 =	vmin.f32 v1, v49;
	v49 =	vld [tilespmem:s17+$0x9D00];
	v62 =	vmul.f32 v60, v24  }
0xa4: {  	v10 =	vmul.f32 v48, v4;
	v14 =	vmin.f32 v59, v12;
	v17 =	vmin.f32 v57, v13;
	v12 =	vld [tilespmem:$0x1FF80]  }
0xa5: {  	v8 =	vmul.f32 v48, v8;
	v13 =	vld [tilespmem:$0x1FF20];
	v16 =	vmin.f32 v14, v55;
	v19 =	vmin.f32 v17, v15  }
0xa6: {  	v55 =	vld [tilespmem:s17+$0xEB90];
	v46 =	vadd.f32 v44, v10;
	v17 =	vmul.f32 v48, v24;
	v3 =	vmul.f32 v51, v6  }
0xa7: {  	v15 =	vld [tilespmem:$0x1FF90];
	v8 =	vadd.f32 v44, v8;
	v41 =	vmin.f32 v16, v41;
	v43 =	vmin.f32 v19, v43  }
0xa8: {  	v10 =	vld [tilespmem:$0x1FF70];
	v41 =	vmin.f32 v41, v56;
	v56 =	vmul.f32 v60, v29;
	v43 =	vmin.f32 v43, v54  }
0xa9: {  	v4 =	vmul.f32 v52, v26;
	v14 =	vmul.f32 v47, v26;
	v43 =	vmin.f32 v43, v18  }
0xaa: {  	v54 =	vld [tilespmem:s1+$0x13A00];
	v41 =	vmin.f32 v41, v53;
	v19 =	vmul.f32 v49, v6;
	v53 =	vadd.f32 v44, v17  }
0xab: {  	v18 =	vld [tilespmem:$0x1FF30];
	v9 =	vmul.f32 v60, v12;
	v16 =	vmul.f32 v60, v13;
	v41 =	vmin.f32 v58, v41  }
0xac: {  	v12 =	vmul.f32 v48, v12;
	v59 =	vadd.f32 v55, v7;
	v63 =	vmul.f32 v47, v15  }
0xad: {  	v42 =	vadd.f32 v55, v5;
	v7 =	vld [tilespmem:$0x1FFB0];
	v57 =	vmul.f32 v51, v10;
	v62 =	vadd.f32 v55, v62  }
0xae: {  	v5 =	vld [tilespmem:$0x1FFA0];
	[tilespmem:s1+$0x13A10] =	vst v41;
	v41 =	vmul.f32 v51, v27;
	v61 =	vadd.f32 v55, v61;
	v56 =	vadd.f32 v55, v56  }
0xaf: {  	v15 =	vmul.f32 v52, v15;
	v1 =	vadd.f32 v55, v9;
	v43 =	vmin.f32 v54, v43  }
0xb0: {  	v17 =	vld [tilespmem:$0x1FF40];
	v4 =	vadd.f32 v62, v4;
	v62 =	vmul.f32 v47, v21;
	v11 =	vmul.f32 v47, v18  }
0xb1: {  	v9 =	vld [tilespmem:$0x1FF00];
	[tilespmem:s1+$0x13A00] =	vst v43;
	v43 =	vadd.f32 v53, v14;
	v53 =	vmul.f32 v52, v21;
	v14 =	vmul.f32 v49, v31  }
0xb2: {  	v18 =	vmul.f32 v52, v18;
	v1 =	vadd.f32 v1, v15;
	v15 =	vmul.f32 v48, v33  }
0xb3: {  	v0 =	vadd.f32 v55, v16;
	v16 =	vld [tilespmem:$0x1FF50];
	v2 =	vmul.f32 v51, v7;
	v58 =	vmul.f32 v51, v5  }
0xb4: {  	v41 =	vadd.f32 v4, v41;
	v54 =	vmul.f32 v49, v5;
	v6 =	vmul.f32 v49, v7  }
0xb5: {  	v46 =	vadd.f32 v46, v11;
	v7 =	vmul.f32 v47, v17;
	v17 =	vmul.f32 v52, v17  }
0xb6: {  	v18 =	vadd.f32 v42, v18;
	v5 =	vmul.f32 v48, v9;
	v60 =	vmul.f32 v60, v9  }
0xb7: {  	v0 =	vadd.f32 v0, v53;
	v9 =	vmul.f32 v49, v10;
	v10 =	vmul.f32 v49, v27  }
0xb8: {  	v11 =	vmul.f32 v47, v16;
	v16 =	vmul.f32 v52, v16;
	v46 =	vadd.f32 v46, v19  }
0xb9: {  	v19 =	vmul.f32 v48, v13;
	v5 =	vadd.f32 v44, v5;
	v10 =	vadd.f32 v43, v10  }
0xba: {  	v13 =	vmul.f32 v49, v23;
	v8 =	vadd.f32 v8, v11;
	v60 =	vadd.f32 v55, v60  }
0xbb: {  	v55 =	vmul.f32 v48, v29;
	v16 =	vadd.f32 v59, v16;
	v48 =	vadd.f32 v18, v3  }
0xbc: {  	v59 =	vmul.f32 v52, v30;
	v4 =	vadd.f32 v44, v19;
	v43 =	vadd.f32 v10, v22  }
0xbd: {  	v19 =	vmul.f32 v51, v23;
	v11 =	vadd.f32 v60, v17;
	v5 =	vadd.f32 v5, v7  }
0xbe: {  	v10 =	vmin.f32 v36, v10;
	v7 =	vadd.f32 v44, v12;
	v4 =	vadd.f32 v4, v62  }
0xbf: {  	v60 =	vld [tilespmem:$0x1FFC0];
	v36 =	vmin.f32 v10, v41;
	v10 =	vadd.f32 v44, v55;
	v42 =	vadd.f32 v0, v19  }
0xc0: {  	v62 =	vmul.f32 v47, v30;
	v44 =	vadd.f32 v44, v15;
	v53 =	vadd.f32 v5, v9  }
0xc1: {  	v12 =	vmul.f32 v52, v34;
	v52 =	vadd.f32 v11, v57;
	v7 =	vadd.f32 v7, v63  }
0xc2: {  	v3 =	vmul.f32 v51, v35;
	v19 =	vadd.f32 v10, v62;
	v55 =	vadd.f32 v42, v20  }
0xc3: {  	v10 =	vadd.f32 v16, v58;
	v58 =	vmul.f32 v47, v34;
	v47 =	vadd.f32 v4, v13  }
0xc4: {  	v50 =	vmin.f32 v50, v46;
	v6 =	vadd.f32 v7, v6;
	v17 =	vadd.f32 v46, v60  }
0xc5: {  	v62 =	vmul.f32 v51, v31;
	v0 =	vadd.f32 v19, v14;
	v19 =	vadd.f32 v48, v60;
	v60 =	vld [tilespmem:$0x1FFD0]  }
0xc6: {  	v51 =	vmul.f32 v49, v35;
	v16 =	vld [tilespmem:$0x1FFF0];
	v46 =	vadd.f32 v1, v2;
	v1 =	vadd.f32 v56, v59  }
0xc7: {  	v5 =	vmin.f32 v39, v53;
	v2 =	vadd.f32 v8, v54;
	v8 =	vadd.f32 v61, v12  }
0xc8: {  	p0 =	sne.s32 s16, $0x13800;
	v39 =	vmin.f32 v5, v52;
	v45 =	vmin.f32 v45, v6;
	v1 =	vadd.f32 v1, v62  }
.Ltmp1:
0xc9: {  	v63 =	vmin.f32 v40, v2;
	v54 =	vadd.f32 v0, v32;
	v49 =	vadd.f32 v8, v3;
	(pc) =	sbr.rel @p0 .LBB2_5-.Ltmp1, $4  }
0xca: {  	v0 =	vmin.f32 v38, v0;
	v2 =	vadd.f32 v2, v60;
	v62 =	vadd.f32 v10, v60  }
0xcb: {  	v18 =	vadd.f32 v46, v16;
	v61 =	vadd.f32 v6, v16;
	v40 =	vmin.f32 v63, v10  }
0xcc: {  	v56 =	vadd.f32 v1, v32;
	v2 =	vmin.f32 v2, v17;
	v63 =	vmin.f32 v62, v19  }
0xcd: {  	s16 =	sadd.s32 $0x80, s16;
	s1 =	smov.u32 s17;
	v38 =	vmin.f32 v0, v1;
	v57 =	vmin.f32 v2, v61;
	v59 =	vmin.f32 v63, v18  }
0xce: {  	v2 =	vld [tilespmem:$0x1FED0];
	_ =	sdelay $0x1  }
0xcf: {  	v5 =	vld [tilespmem:$0x1FFE0];
	_ =	sdelay $0x2  }
0xd0: {  	v0 =	vadd.f32 v44, v58;
	v1 =	vadd.f32 v52, v2;
	v52 =	vld [tilespmem:$0x1FEE0]  }
0xd1: {  	v4 =	vadd.f32 v41, v22;
	v2 =	vadd.f32 v53, v2  }
0xd2: {  	v3 =	vld [tilespmem:s1+$0x13A10];
	v0 =	vadd.f32 v0, v51;
	v5 =	vadd.f32 v47, v5;
	v1 =	vmin.f32 v59, v1  }
0xd3: {  	v6 =	vadd.f32 v49, v28;
	v7 =	vld [tilespmem:s1+$0x13A00];
	v2 =	vmin.f32 v57, v2;
	v1 =	vmin.f32 v1, v55  }
0xd4: {  	v8 =	vadd.f32 v0, v28;
	v2 =	vmin.f32 v2, v5;
	v1 =	vmin.f32 v1, v4  }
0xd5: {  	v2 =	vmin.f32 v2, v43;
	v1 =	vmin.f32 v1, v56;
	(v2sf) =	vpush v52, $0x0  }
0xd6: {  	(xrf0) =	vmin.scan.msk.f32 $0xffff, v40;
	v2 =	vmin.f32 v2, v54;
	v1 =	vmin.f32 v1, v6;
	(v2sf) =	vpush v52, $0x1  }
0xd7: {  	v2 =	vmin.f32 v2, v8;
	v1 =	vmin.f32 v3, v1;
	(v2sf) =	vpush v52, $0x2  }
0xd8: {  	v53 =	vmin.f32 v50, v48;
	v2 =	vmin.f32 v7, v2;
	[tilespmem:s1+$0x13A10] =	vst v1;
	(v2sf) =	vpush v52, $0x3  }
0xd9: {  	(xrf0) =	vmin.scan.msk.f32 $0xffff, v53;
	[tilespmem:s1+$0x13A00] =	vst v2;
	(v2sf) =	vpush v52, $0x4  }
0xda: {  	v1 =	vld [tilespmem:s0+$0x19000];
	(v2sf) =	vpush v52, $0x5  }
0xdb: {  	v54 =	vmin.f32 v45, v46;
	(v2sf) =	vpush v52, $0x6  }
0xdc: {  	v55, _, _ =	vpop (xrf0);
	(xrf0) =	vmin.scan.msk.f32 $0xffff, v54;
	(v2sf) =	vpush v52, $0x7  }
0xdd: {  	(v2sf) =	vpush v55, $0xF  }
0xde: {  	v56 =	vmin.f32 v25, v47;
	(xrf0) =	vmin.scan.msk.f32 $0xffff, v39  }
0xdf: {  	v57, _, _ =	vpop (xrf0);
	v2 =	vmin.f32 v56, v42;
	(v2sf) =	vpush v1, $0x0  }
0xe0: {  	(xrf0) =	vmin.scan.msk.f32 $0xffff, v2;
	(v2sf) =	vpush v57, $0xF;
	_ =	sdelay $0x1  }
0xe1: {  	v58, _, _ =	vpop (xrf0);
	(v2sf) =	vpush v1, $0x1  }
0xe2: {  	(xrf0) =	vmin.scan.msk.f32 $0xffff, v36;
	(v2sf) =	vpush v58, $0xF  }
0xe3: {  	v59, _, _ =	vpop (xrf0);
	s0 =	spop (v2sf);
	(v2sf) =	vpush v1, $0x2  }
0xe4: {  	s1 =	spop (v2sf);
	(v2sf) =	vpush v59, $0xF  }
0xe5: {  	v60, _, _ =	vpop (xrf0);
	(xrf0) =	vmin.scan.msk.f32 $0xffff, v38;
	s16 =	spop (v2sf);
	(v2sf) =	vpush v1, $0x3  }
0xe6: {  	v0 =	vmin.f32 v37, v0;
	s17 =	spop (v2sf);
	(v2sf) =	vpush v60, $0xF  }
0xe7: {  	v0 =	vmin.f32 v0, v49;
	s18 =	spop (v2sf);
	(v2sf) =	vpush v1, $0x4  }
0xe8: {  	v61, _, _ =	vpop (xrf0);
	(xrf0) =	vmin.scan.msk.f32 $0xffff, v0;
	s19 =	spop (v2sf)  }
0xe9: {  	(v2sf) =	vpush v61, $0xF;
	s20 =	spop (v2sf)  }
0xea: {  	(v2sf) =	vpush v1, $0x5;
	s21 =	spop (v2sf)  }
0xeb: {  	v62, _, _ =	vpop (xrf0);
	s22 =	spop (v2sf)  }
0xec: {  	(v2sf) =	vpush v62, $0xF;
	s0 =	sadd.f32 s22, s0  }
0xed: {  	s22 =	spop (v2sf)  }
0xee: {  	v63, _, _ =	vpop (xrf0);
	(v2sf) =	vpush v1, $0x6;
	s0 =	smul.f32 s22, s0;
	s22 =	spop (v2sf)  }
0xef: {  	(v2sf) =	vpush v63, $0xF;
	s1 =	sadd.f32 s22, s1  }
0xf0: {  	s22 =	spop (v2sf);
	s0 =	sadd.f32 s0, s31  }
0xf1: {  	s1 =	smul.f32 s22, s1;
	s22 =	spop (v2sf)  }
0xf2: {  	(v2sf) =	vpush v1, $0x7;
	s31 =	spop (v2sf);
	s16 =	sadd.f32 s22, s16  }
0xf3: {  	s22 =	spop (v2sf);
	s0 =	sadd.f32 s0, s1  }
0xf4: {  	s1 =	spop (v2sf);
	s16 =	smul.f32 s31, s16  }
0xf5: {  	s17 =	sadd.f32 s22, s17;
	s31 =	spop (v2sf)  }
0xf6: {  	s22 =	spop (v2sf)  }
0xf7: {  	s0 =	sadd.f32 s0, s16;
	s1 =	smul.f32 s1, s17  }
0xf8: {  	s17 =	sadd.f32 s31, s18;
	s16 =	spop (v2sf)  }
0xf9: {  	s18 =	spop (v2sf);
	s0 =	sadd.f32 s0, s1  }
0xfa: {  	s17 =	smul.f32 s22, s17;
	s16 =	sadd.f32 s16, s19  }
0xfb: {  	s22 =	spop (v2sf)  }
0xfc: {  	s0 =	sadd.f32 s0, s17;
	s18 =	smul.f32 s18, s16  }
0xfd: {  	s19 =	spop (v2sf);
	s17 =	sadd.f32 s22, s20  }
0xfe: {  	s30 =	sadd.s32 $0x1, s30;
	s22 =	spop (v2sf)  }
0xff: {  	p0 =	sne.s32 s30, $0x1F;
	s0 =	sadd.f32 s0, s18;
	s19 =	smul.f32 s19, s17  }
.Ltmp2:
0x100: {  	s20 =	sadd.f32 s22, s21;
	(pc) =	sbr.rel @p0 .LBB2_4-.Ltmp2, $4  }
0x101: {  	s21 =	spop (v2sf)  }
0x102: {  	s0 =	sadd.f32 s0, s19;
	s22 =	smul.f32 s21, s20  }
0x103: {  	_ = 	snop  }
0x104: {  	s31 =	sadd.f32 s0, s22  }
0x105: {  	_ = 	snop  }
0x106: {  	v0 =	vmov s31  }
0x107: {  	v0 =	vnsel vm0, $0x0, v0  }
0x108: {  	[tilespmem:$0x19180] =	vst v0  }
0x109: {  	[hbm4b:s12+s2] =	stream.linear.scatter [tilespmem:s24], [sflag:$0x1], $0x80, $0x38;
	[tilespmem:$0x19200] =	vst v63  }
0x10a: {  	s29 =	sadd.s32 $0x1, s29;
	_ =	swait.ge [sflag:s15], $0x80  }
0x10b: {  	p0 =	sne.s32 s29, s14;
	[sflag:s15] =	ssyncset.done $0x0  }
.Ltmp3:
0x10c: {  	[sflag:s15] =	ssyncadd.s32 $0xFFFFFF80;
	(pc) =	sbr.rel @p0 .LBB2_1-.Ltmp3, $4  }
0x10d: {  	[hbm4b:s13+s25] =	stream.strided.scatter [tilespmem:s28], [sflag:$0x1], $0x5000, s26, s25, $0x38;
	[tilespmem:$0x19200] =	vst v63  }
0x10e: {  	_ =	swait.ge [sflag:s15], $0x5000  }
0x10f: {  	[sflag:s15] =	ssyncset.done $0x0  }
0x110: {  	v0 =	vimm.f32 $3.000000010e+38;
	[sflag:s15] =	ssyncadd.s32 $0xFFFFB000  }
0x111: {  	_ =	sfence.sel $0x180000  }
0x112: {  	[bflag:$0x0] =	sbarrier.arrive $0xFFFF  }
0x113: {  	_ =	strace $0x90000047  }
0x114: {  	s0 =	stileid.u32;
	[bflag:$0x2] =	sbarrier.arrive $0xFFFF  }
0x115: {  	p0 =	sne.s32 s0, $0x0;
	s0 =	rddreg [dreg:$0x1]  }
0x116: {  	s0 =	sadd.s32 @!p0 $0x100000, s0  }
0x117: {  	[sflag:s0] =	ssyncadd.tile.s32 @!p0 $0x1;
	_ =	shalt  }
.Lfunc_end2:
_tile_overlayer_lowered:
.L_overlay_start_2:
0x118: {  	(tag) =	ssettag $0x2  }
0x119: {  	s0 =	rddreg [dreg:$0x0];
	s2 =	stileid.u32  }
0x11a: {  	s1 =	rddreg [dreg:$0x1];
	p0 =	sne.s32 s2, $0x0  }
0x11b: {  	s3 =	rddreg [dreg:$0x2];
	[bflag:$0x3] =	sbarrier.arrive $0xFFFF;
	s2 =	simm.s32 @!p0 $0x1C01  }
0x11c: {  	[timem:s3], [sflag:s2] =	dma.local @!p0 [hbm:s0], s1  }
0x11d: {  	s0 =	simm.s32 @!p0 $0x1  }
0x11e: {  	_ =	swait.ge @!p0 [sflag:s0], s1  }
0x11f: {  	s1 =	ssub.s32 @!p0 $0x0, s1;
	[sflag:s0] =	ssyncset.done @!p0 $0x0  }
0x120: {  	[sflag:s0] =	ssyncadd.s32 @!p0 s1  }
0x121: {  	[bflag:$0x3] =	sbarrier.arrive $0xFFFF  }
0x122: {  	_ =	shalt  }

// kernel: kernel.8.cloned.1.call-start
scs
__scs_entry_jumppad:
0x0: {  	(pc) =	sbr.rel $0x88, $3  }
0x1: {  	(tag) =	ssettag $0x0;
	lr =	simm.s32 $0x1  }
0x2: {  	[smem:$0x3F9F] =	sst lr;
	_ =	strace $0xD0000000  }
0x3: {  	_ = 	snop  }
0x4: {  	_ = 	snop  }
0x5: {  	_ = 	snop  }
0x6: {  	_ = 	snop  }
0x7: {  	_ = 	snop  }
__scs_overlays_trampoline_lowered:
0x8: {  	[smem:$0x3FAE] =	sst s0  }
0x9: {  	[smem:$0x3FAF] =	sst s1  }
0xa: {  	[smem:$0x3FB0] =	sst s2  }
0xb: {  	[smem:$0x3FB1] =	sst s3  }
0xc: {  	[smem:$0x3FB2] =	sst s4  }
0xd: {  	[smem:$0x3FB3] =	sst s5  }
0xe: {  	[smem:$0x3FB4] =	sst s6  }
0xf: {  	[smem:$0x3FB5] =	sst s7  }
0x10: {  	[smem:$0x3FB6] =	sst s8  }
0x11: {  	[smem:$0x3FB7] =	sst s9;
	s0 =	simm.s32 @!p0 $0x0  }
0x12: {  	s1 =	sld [smem:$0x3F9D];
	s0 =	simm.s32 @p0 $0x1  }
0x13: {  	[smem:$0x3FB8] =	sst s0;
	s0 =	simm.s32 @!p1 $0x0  }
0x14: {  	s2 =	sld [smem:$0x3F9C];
	s0 =	simm.s32 @p1 $0x1  }
0x15: {  	[smem:$0x3FB9] =	sst s0;
	s0 =	simm.s32 @!p2 $0x0  }
0x16: {  	s3 =	sld [smem:$0x3FDB];
	s0 =	simm.s32 @p2 $0x1  }
0x17: {  	s4 =	simm.s32 $0x1BF5;
	[smem:$0x3FBB] =	sst s0  }
0x18: {  	s0 =	sld [smem:$0x3F9E];
	_ =	swait.ge [sflag:s4], $0x0  }
0x19: {  	s7 =	sld [smem:$0x3F9F]  }
0x1a: {  	s8 =	sadd.s32 $0xFFFFE003, lr  }
0x1b: {  	s9 =	sadd.s32 $0xFFFFFEF7, lr;
	s5 =	simm.s32 $0xFFFFFFFF;
	p2 =	slt.u32 s8, $0xFFFFF086  }
0x1c: {  	p1 =	slt.u32 s9, $0xF7A;
	s5 =	simm.s32 @!p2 $0x0  }
0x1d: {  	s5 =	simm.s32 @p1 $0x1;
	p0 =	seq.s32 s7, s2  }
0x1e: {  	s7 =	smul.u32 @!p0 $0xF7A, s2;
	p2 =	seq.s32 @!p0 s5, $0x0  }
0x1f: {  	s9 =	smul.u32 $0xF7A, s1;
	s8 =	simm.s32 @!p0 $0x1BF5;
	p2 =	por !p2, p0  }
0x20: {  	[sflag:s8] =	ssyncset.s32 @!p0 $0xFFFFF086;
	s6 =	sadd.s32 @!p0 s3, s7;
	s7 =	simm.s32 @!p0 $0x108  }
0x21: {  	s3 =	sadd.s32 s3, s9;
	s6 =	sadd.s32 @!p0 $0x88, s6;
	s7 =	simm.s32 @p2 $0x1082  }
0x22: {  	[simem:s7], [sflag:s8] =	dma.local @!p0 [hbm:s6], $0xF7A  }
0x23: {  	s9 =	sor.u32 $0xD0000000, s2;
	s6 =	simm.s32 $0x108;
	_ =	swait.ge @!p0 [sflag:s8], $0x0  }
0x24: {  	s3 =	sadd.s32 $0x88, s3;
	s6 =	simm.s32 @!p1 $0x1082;
	[sflag:s4] =	ssyncset.s32 $0xFFFFF086  }
0x25: {  	[simem:s6], [sflag:s4] =	dma.local [hbm:s3], $0xF7A  }
0x26: {  	[smem:$0x3F9F] =	sst s1;
	(tag) =	ssettag s2;
	_ =	strace s9  }
0x27: {  	s1 =	sld [smem:$0x3FAF]  }
0x28: {  	s2 =	sld [smem:$0x3FB0]  }
0x29: {  	s4 =	sld [smem:$0x3FB2]  }
0x2a: {  	p0 =	seq.s32 s5, $0x0;
	s5 =	sld [smem:$0x3FB3]  }
0x2b: {  	s6 =	sld [smem:$0x3FB4]  }
0x2c: {  	s7 =	sld [smem:$0x3FB5]  }
0x2d: {  	s3 =	simm.s32 $0x108;
	s8 =	sld [smem:$0x3FB6]  }
0x2e: {  	s3 =	simm.s32 @!p0 $0x1082;
	s9 =	sld [smem:$0x3FB7]  }
0x2f: {  	lr =	sadd.s32 s0, s3;
	s0 =	sld [smem:$0x3FAE]  }
0x30: {  	s3 =	sld [smem:$0x3FB1]  }
0x31: {  	[smem:$0x3FBA] =	sst s10  }
0x32: {  	s10 =	sld [smem:$0x3FB8];
	_ =	sdelay $0x3  }
0x33: {  	p0 =	seq.s32 s10, $0x1;
	s10 =	sld [smem:$0x3FBA];
	_ =	sdelay $0x3  }
0x34: {  	[smem:$0x3FBA] =	sst s10  }
0x35: {  	s10 =	sld [smem:$0x3FB9];
	_ =	sdelay $0x3  }
0x36: {  	p1 =	seq.s32 s10, $0x1;
	s10 =	sld [smem:$0x3FBA];
	_ =	sdelay $0x3  }
0x37: {  	[smem:$0x3FBA] =	sst s10  }
0x38: {  	s10 =	sld [smem:$0x3FBB]  }
0x39: {  	_ = 	snop;
	(pc) =	sbr.ind lr, $3  }
0x3a: {  	_ = 	snop  }
0x3b: {  	_ = 	snop  }
0x3c: {  	p2 =	seq.s32 s10, $0x1;
	s10 =	sld [smem:$0x3FBA]  }
0x3d: {  	_ =	shalt  }
0x3e: {  	_ =	shalt  }
0x3f: {  	_ =	shalt  }
0x40: {  	_ =	shalt  }
0x41: {  	_ =	shalt  }
0x42: {  	_ =	shalt  }
0x43: {  	_ =	shalt  }
0x44: {  	_ =	shalt  }
0x45: {  	_ =	shalt  }
0x46: {  	_ =	shalt  }
0x47: {  	_ =	shalt  }
0x48: {  	_ =	shalt  }
0x49: {  	_ =	shalt  }
0x4a: {  	_ =	shalt  }
0x4b: {  	_ =	shalt  }
0x4c: {  	_ =	shalt  }
0x4d: {  	_ =	shalt  }
0x4e: {  	_ =	shalt  }
0x4f: {  	_ =	shalt  }
0x50: {  	_ =	shalt  }
0x51: {  	_ =	shalt  }
0x52: {  	_ =	shalt  }
0x53: {  	_ =	shalt  }
0x54: {  	_ =	shalt  }
0x55: {  	_ =	shalt  }
0x56: {  	_ =	shalt  }
0x57: {  	_ =	shalt  }
0x58: {  	_ =	shalt  }
0x59: {  	_ =	shalt  }
0x5a: {  	_ =	shalt  }
0x5b: {  	_ =	shalt  }
0x5c: {  	_ =	shalt  }
0x5d: {  	_ =	shalt  }
0x5e: {  	_ =	shalt  }
0x5f: {  	_ =	shalt  }
0x60: {  	_ =	shalt  }
0x61: {  	_ =	shalt  }
0x62: {  	_ =	shalt  }
0x63: {  	_ =	shalt  }
0x64: {  	_ =	shalt  }
0x65: {  	_ =	shalt  }
0x66: {  	_ =	shalt  }
0x67: {  	_ =	shalt  }
0x68: {  	_ =	shalt  }
0x69: {  	_ =	shalt  }
0x6a: {  	_ =	shalt  }
0x6b: {  	_ =	shalt  }
0x6c: {  	_ =	shalt  }
0x6d: {  	_ =	shalt  }
0x6e: {  	_ =	shalt  }
0x6f: {  	_ =	shalt  }
0x70: {  	_ =	shalt  }
0x71: {  	_ =	shalt  }
0x72: {  	_ =	shalt  }
0x73: {  	_ =	shalt  }
0x74: {  	_ =	shalt  }
0x75: {  	_ =	shalt  }
0x76: {  	_ =	shalt  }
0x77: {  	_ =	shalt  }
0x78: {  	_ =	shalt  }
0x79: {  	_ =	shalt  }
0x7a: {  	_ =	shalt  }
0x7b: {  	_ =	shalt  }
0x7c: {  	_ =	shalt  }
0x7d: {  	_ =	shalt  }
0x7e: {  	_ =	shalt  }
0x7f: {  	_ =	shalt  }
0x80: {  	_ =	shalt  }
0x81: {  	_ =	shalt  }
0x82: {  	_ =	shalt  }
0x83: {  	_ =	shalt  }
0x84: {  	_ =	shalt  }
0x85: {  	_ =	shalt  }
0x86: {  	_ =	shalt  }
0x87: {  	_ =	shalt  }
.Lfunc_end0:
.L_simem_size_0:
called_computation.1_lowered:
.L_overlay_start_0:
0x88: {  	s2 =	sld [smem:$0x3FD9]  }
0x89: {  	s3 =	sld [smem:$0x3FFE];
	_ =	sdelay $0x1  }
0x8a: {  	s1 =	srdreg.scid  }
0x8b: {  	s0 =	sand.u32 $0x1, s1  }
0x8c: {  	s16 =	sshll.u32 s0, $0xA;
	s2 =	sadd.s32 s3, s2  }
0x8d: {  	s2 =	sadd.s32 s2, s16  }
0x8e: {  	[smem:$0x3FC6] =	sst s2  }
0x8f: {  	_ = 	snop  }
0x90: {  	(tm) =	ssettm $0x1  }
0x91: {  	s17 =	sld [smem:$0x3FFB];
	_ =	sdelay $0x3  }
0x92: {  	_ =	strace s17  }
0x93: {  	s2 =	sld [smem:$0x3FFC];
	_ =	sdelay $0x3  }
0x94: {  	_ =	strace s2  }
0x95: {  	s2 =	sld [smem:$0x3FFD];
	_ =	sdelay $0x3  }
0x96: {  	_ =	strace s2  }
0x97: {  	_ =	strace $0x8FFFFFFF  }
0x98: {  	s18 =	sld [smem:$0x3FDB];
	_ =	sdelay $0x1  }
0x99: {  	s19 =	simm.s32 $_scs_section_size  }
0x9a: {  	s4 =	simm.s32 $_size__tile_overlayer_lowered;
	s5 =	simm.s32 $_tile_overlayer_lowered  }
0x9b: {  	s22 =	simm.s32 $0x1BFF;
	s21 =	sshll.u32 s5, $0x1;
	s2 =	sadd.s32 s19, s18  }
0x9c: {  	s6 =	simm.s32 $0x0;
	s20 =	sshll.u32 s4, $0x1;
	s4 =	sadd.s32 s21, s2  }
0x9d: {  	[timem:s6], [sflag:s22] =	dma.local [hbm:s4], s20  }
0x9e: {  	_ =	swait.ge [sflag:s22], s20  }
0x9f: {  	s3 =	ssub.s32 $0x0, s20;
	[sflag:s22] =	ssyncset.done $0x0  }
0xa0: {  	[sflag:s22] =	ssyncadd.s32 s3;
	_ =	sdelay $0x1  }
0xa1: {  	s23 =	simm.s32 $0x1B8B  }
0xa2: {  	_ =	swait.ge [sflag:s23], $0x1  }
0xa3: {  	[sflag:s23] =	ssyncset.done $0x0  }
0xa4: {  	s25 =	simm.s32 $0x1B8E;
	s24 =	sld [smem:$0x3FFE];
	[sflag:s23] =	ssyncadd.s32 $0xFFFFFFFF  }
0xa5: {  	s26 =	simm.s32 $execute0_lowered;
	[smem:$0x3FD2] =	sst s25  }
0xa6: {  	s4 =	sshll.u32 s26, $0x1;
	_ =	strace $0x80000049;
	[dreg:$0x1] =	wrdreg $0xFFFFFFFF  }
0xa7: {  	s28 =	simm.s32 $_size_execute0_lowered;
	s2 =	sadd.s32 s2, s4;
	[dreg:$0x0] =	wrdreg $0x0  }
0xa8: {  	s4 =	sshll.u32 s28, $0x1;
	[dreg:$0x2] =	wrdreg s2  }
0xa9: {  	[dreg:$0x3] =	wrdreg s4  }
0xaa: {  	[dreg:$0x4] =	wrdreg $0xC0  }
0xab: {  	_ =	task [dreg:s6], $0x5FFFF  }
0xac: {  	[dreg:$0x1] =	wrdreg $0xFFFFFFFF  }
0xad: {  	[dreg:$0x0] =	wrdreg $0x60  }
0xae: {  	[dreg:$0x2] =	wrdreg s24  }
0xaf: {  	[dreg:$0x3] =	wrdreg $0x9  }
0xb0: {  	_ =	task.clear_ibuf [dreg:s6], $0x4FFFF;
	_ =	strace $0x90000049  }
0xb1: {  	s29 =	simm.s32 $0x9;
	_ =	strace $0x8000004B  }
0xb2: {  	_ =	swait.ge [sflag:s29], $0x1  }
0xb3: {  	[sflag:s29] =	ssyncadd.s32 $0xFFFFFFFF  }
0xb4: {  	_ =	strace $0x9000004B  }
0xb5: {  	_ =	sfence  }
0xb6: {  	s30 =	sld [smem:$0x0];
	_ =	sdelay $0x2  }
0xb7: {  	s31 =	sshll.u32 s1, $0xD;
	s1 =	sshrl.u32 s1, $0x2  }
0xb8: {  	s3 =	sand.u32 $0x4000, s31;
	s1 =	sadd.s32 s1, s30  }
0xb9: {  	s0 =	sor.u32 s3, s0;
	s1 =	sshll.u32 s1, $0x11  }
0xba: {  	s0 =	sor.u32 s1, s0  }
0xbb: {  	s0 =	sadd.s32 $0x8F2B, s0  }
0xbc: {  	[sflag:s0] =	ssyncadd.remote.s32 $0x1  }
0xbd: {  	_ =	sfence.sel $0xFFFF  }
0xbe: {  	[dreg:$0x0] =	wrdreg $0xFFFFFFFF;
	(pc) =	sbr.abs _section_cstart, $3  }
0xbf: {  	[dreg:$0x1] =	wrdreg $0xFFFFFFFF  }
0xc0: {  	_ =	task.clear_ibuf [dreg:s6], $0x2FFFF;
	_ =	strace $0x9FFFFFFF  }
0xc1: {  	(tm) =	ssettm $0x7FFFFFFF  }
tec
execute0_lowered:
.L_overlay_start_1:
0x0: {  	(tag) =	ssettag $0x1  }
0x1: {  	s0 =	srdreg.scid  }
0x2: {  	s4 =	rddreg [dreg:$0x0];
	s2 =	simm.s32 $0x0;
	s10 =	simm.s32 $0x5280  }
0x3: {  	s11 =	simm.s32 $0x0;
	s3 =	sand.u32 $0x1, s0;
	s0 =	stileid.u32  }
0x4: {  	[smem:$0x7FF] =	sst s2;
	s1 =	sshll.u32 s3, $0x4;
	s3 =	ssub.s32 $0x2, s3  }
0x5: {  	s8 =	sshll.u32 s0, $0x4;
	s5 =	sor.u32 s0, s1;
	s1 =	rddreg [dreg:$0x1]  }
0x6: {  	_ =	strace $0x8000004A;
	s9 =	sshrl.u32 s3, $0x1;
	s6 =	smul.u32 $0x280, s5  }
0x7: {  	s8 =	sand.u32 $0x70, s8;
	s7 =	smul.u32 $0x50, s5;
	s5 =	sshll.u32 s5, $0x4  }
0x8: {  	s9 =	ssub.s32 s3, s9;
	s8 =	sadd.s32 s4, s8;
	s5 =	sand.u32 $0x180, s5  }
0x9: {  	s6 =	sadd.s32 s6, s4;
	s7 =	sadd.s32 s7, s4;
	s5 =	sadd.s32 s5, s8  }
0xa: {  	s8 =	simm.s32 $0x28000;
	s3 =	sadd.s32 $0x3E00, s6;
	s4 =	sadd.s32 $0x17E00, s7  }
0xb: {  	vm0 =	vmmov $0x1;
	s6 =	smax.u32 s9, $0x1;
	s7 =	simm.s32 $0x1400;
	s9 =	simm.s32 $0x1  }
.LBB2_1:
0xc: {  	[tilespmem:s2], [sflag:$0x1] =	stream.strided.gather [hbm4b:s3+s7], $0x5000, s8, s7, $0x38;
	[tilespmem:$0x5300] =	vst v63  }
0xd: {  	_ =	swait.ge [sflag:s9], $0x5000  }
0xe: {  	[sflag:s9] =	ssyncset.done $0x0  }
0xf: {  	s12 =	simm.s32 $0x5000;
	[sflag:s9] =	ssyncadd.s32 $0xFFFFB000  }
0x10: {  	[tilespmem:s12], [sflag:$0x1] =	stream.linear.gather [hbm4b:s4+s2], $0x280, $0x38;
	[tilespmem:$0x5300] =	vst v63  }
0x11: {  	_ =	swait.ge [sflag:s9], $0x280  }
0x12: {  	[sflag:s9] =	ssyncset.done $0x0  }
0x13: {  	s13 =	sand.u32 $0x70, s2;
	s14 =	sand.u32 $0x1C00, s2;
	[sflag:s9] =	ssyncadd.s32 $0xFFFFFD80  }
0x14: {  	s16 =	sor.u32 s13, s14;
	v0 =	vld [tilespmem:s12+$0x0]  }
0x15: {  	v1 =	vld [tilespmem:s16+$0x0]  }
0x16: {  	v2 =	vld [tilespmem:s16+$0x80]  }
0x17: {  	v3 =	vld [tilespmem:s16+$0x100]  }
0x18: {  	v4 =	vld [tilespmem:s16+$0x180]  }
0x19: {  	v5 =	vld [tilespmem:s16+$0x200]  }
0x1a: {  	s31 =	sor.u32 s2, s2;
	v0 =	vmin.f32 v0, v1;
	v1 =	vld [tilespmem:s16+$0x280]  }
0x1b: {  	s12 =	sor.u32 $0x380, s31;
	v0 =	vmin.f32 v0, v2;
	v2 =	vld [tilespmem:s16+$0x300]  }
0x1c: {  	v0 =	vmin.f32 v0, v3;
	v3 =	vld [tilespmem:s12+$0x0]  }
0x1d: {  	v0 =	vmin.f32 v0, v4;
	v4 =	vld [tilespmem:s16+$0x1400]  }
0x1e: {  	v0 =	vmin.f32 v0, v5;
	v5 =	vld [tilespmem:s16+$0x1480]  }
0x1f: {  	v0 =	vmin.f32 v0, v1;
	v1 =	vld [tilespmem:s16+$0x1500]  }
0x20: {  	v0 =	vmin.f32 v0, v2;
	v2 =	vld [tilespmem:s16+$0x1580]  }
0x21: {  	v0 =	vmin.f32 v0, v3;
	v3 =	vld [tilespmem:s16+$0x1600]  }
0x22: {  	v0 =	vmin.f32 v0, v4;
	v4 =	vld [tilespmem:s16+$0x1680]  }
0x23: {  	v0 =	vmin.f32 v0, v5;
	v5 =	vld [tilespmem:s16+$0x1700]  }
0x24: {  	v0 =	vmin.f32 v0, v1;
	v1 =	vld [tilespmem:s16+$0x1780]  }
0x25: {  	v0 =	vmin.f32 v0, v2;
	v2 =	vld [tilespmem:s16+$0x2800]  }
0x26: {  	v0 =	vmin.f32 v0, v3;
	v3 =	vld [tilespmem:s16+$0x2880]  }
0x27: {  	v0 =	vmin.f32 v0, v4;
	v4 =	vld [tilespmem:s16+$0x2900]  }
0x28: {  	v0 =	vmin.f32 v0, v5;
	v5 =	vld [tilespmem:s16+$0x2980]  }
0x29: {  	v0 =	vmin.f32 v0, v1;
	v1 =	vld [tilespmem:s16+$0x2A00]  }
0x2a: {  	v0 =	vmin.f32 v0, v2;
	v2 =	vld [tilespmem:s16+$0x2A80]  }
0x2b: {  	v0 =	vmin.f32 v0, v3;
	v3 =	vld [tilespmem:s16+$0x2B00]  }
0x2c: {  	v6 =	vld [tilespmem:s16+$0x2B80];
	v0 =	vmin.f32 v0, v4  }
0x2d: {  	v0 =	vmin.f32 v0, v5;
	v5 =	vld [tilespmem:s16+$0x3C00]  }
0x2e: {  	v7 =	vld [tilespmem:s16+$0x3C80];
	v0 =	vmin.f32 v0, v1  }
0x2f: {  	v8 =	vld [tilespmem:s16+$0x3D00];
	v0 =	vmin.f32 v0, v2  }
0x30: {  	v4 =	vld [tilespmem:s16+$0x3D80];
	v0 =	vmin.f32 v0, v3  }
0x31: {  	v2 =	vld [tilespmem:s16+$0x3E00];
	v0 =	vmin.f32 v0, v6  }
0x32: {  	v1 =	vld [tilespmem:s16+$0x3E80];
	v0 =	vmin.f32 v0, v5  }
0x33: {  	s15 =	simm.s32 $0x20;
	s13 =	simm.s32 $0x80;
	s12 =	simm.s32 $0x10;
	v3 =	vld [tilespmem:s16+$0x3F00];
	v5 =	vmin.f32 v0, v7  }
0x34: {  	s14 =	simm.s32 $0x5010;
	s18 =	sand.u32 $0x1C00, s13;
	s17 =	sand.u32 $0x70, s12;
	v0 =	vimm.f32 $0.0e+00;
	v6 =	vmin.f32 v5, v8;
	v5 =	vld [tilespmem:s16+$0x3F80]  }
.LBB2_2:
0x35: {  	p0 =	sne.s32 s15, $0x270;
	v7 =	vld [tilespmem:s14+$0x0];
	s16 =	sor.u32 s17, s18;
	v4 =	vmin.f32 v6, v4  }
0x36: {  	v6 =	vld [tilespmem:s16+$0x0];
	v2 =	vmin.f32 v4, v2  }
0x37: {  	v4 =	vld [tilespmem:s16+$0x80];
	v1 =	vmin.f32 v2, v1  }
0x38: {  	v2 =	vld [tilespmem:s16+$0x100];
	v1 =	vmin.f32 v1, v3  }
0x39: {  	v3 =	vld [tilespmem:s16+$0x180];
	v1 =	vmin.f32 v1, v5  }
0x3a: {  	v5 =	vld [tilespmem:s16+$0x200];
	v0 =	vadd.f32 v1, v0  }
0x3b: {  	s17 =	sor.u32 s13, s12;
	s12 =	smov.u32 s15;
	v1 =	vmin.f32 v7, v6;
	v6 =	vld [tilespmem:s16+$0x280]  }
0x3c: {  	s17 =	sor.u32 $0x380, s17;
	v1 =	vmin.f32 v1, v4;
	v4 =	vld [tilespmem:s16+$0x300]  }
0x3d: {  	v1 =	vmin.f32 v1, v2;
	v2 =	vld [tilespmem:s17+$0x0]  }
0x3e: {  	v1 =	vmin.f32 v1, v3;
	v3 =	vld [tilespmem:s16+$0x1400]  }
0x3f: {  	v1 =	vmin.f32 v1, v5;
	v5 =	vld [tilespmem:s16+$0x1480]  }
0x40: {  	v1 =	vmin.f32 v1, v6;
	v6 =	vld [tilespmem:s16+$0x1500]  }
0x41: {  	v1 =	vmin.f32 v1, v4;
	v4 =	vld [tilespmem:s16+$0x1580]  }
0x42: {  	v1 =	vmin.f32 v1, v2;
	v2 =	vld [tilespmem:s16+$0x1600]  }
0x43: {  	v1 =	vmin.f32 v1, v3;
	v3 =	vld [tilespmem:s16+$0x1680]  }
0x44: {  	v1 =	vmin.f32 v1, v5;
	v5 =	vld [tilespmem:s16+$0x1700]  }
0x45: {  	v1 =	vmin.f32 v1, v6;
	v6 =	vld [tilespmem:s16+$0x1780]  }
0x46: {  	v1 =	vmin.f32 v1, v4;
	v4 =	vld [tilespmem:s16+$0x2800]  }
0x47: {  	v1 =	vmin.f32 v1, v2;
	v2 =	vld [tilespmem:s16+$0x2880]  }
0x48: {  	v1 =	vmin.f32 v1, v3;
	v3 =	vld [tilespmem:s16+$0x2900]  }
0x49: {  	v1 =	vmin.f32 v1, v5;
	v5 =	vld [tilespmem:s16+$0x2980]  }
0x4a: {  	v1 =	vmin.f32 v1, v6;
	v6 =	vld [tilespmem:s16+$0x2A00]  }
0x4b: {  	v1 =	vmin.f32 v1, v4;
	v4 =	vld [tilespmem:s16+$0x2A80]  }
0x4c: {  	v1 =	vmin.f32 v1, v2;
	v2 =	vld [tilespmem:s16+$0x2B00]  }
0x4d: {  	v1 =	vmin.f32 v1, v3;
	v3 =	vld [tilespmem:s16+$0x2B80]  }
0x4e: {  	v1 =	vmin.f32 v1, v5;
	v5 =	vld [tilespmem:s16+$0x3C00]  }
0x4f: {  	v1 =	vmin.f32 v1, v6;
	v6 =	vld [tilespmem:s16+$0x3C80]  }
0x50: {  	v1 =	vmin.f32 v1, v4;
	v7 =	vld [tilespmem:s16+$0x3D00]  }
.Ltmp0:
0x51: {  	v1 =	vmin.f32 v1, v2;
	v4 =	vld [tilespmem:s16+$0x3D80];
	(pc) =	sbr.rel @p0 .LBB2_2-.Ltmp0, $4  }
0x52: {  	v1 =	vmin.f32 v1, v3;
	v2 =	vld [tilespmem:s16+$0x3E00]  }
0x53: {  	v3 =	vmin.f32 v1, v5;
	v1 =	vld [tilespmem:s16+$0x3E80]  }
0x54: {  	s13 =	sadd.s32 $0x80, s13;
	s14 =	sadd.s32 $0x10, s14;
	v5 =	vmin.f32 v3, v6;
	v3 =	vld [tilespmem:s16+$0x3F00]  }
0x55: {  	s15 =	sadd.s32 $0x10, s15;
	s18 =	sand.u32 $0x1C00, s13;
	s17 =	sand.u32 $0x70, s12;
	v6 =	vmin.f32 v5, v7;
	v5 =	vld [tilespmem:s16+$0x3F80]  }
0x56: {  	v7 =	vld [tilespmem:s14+$0x0];
	s31 =	sor.u32 s17, s18  }
0x57: {  	v8 =	vld [tilespmem:s31+$0x0]  }
0x58: {  	v9 =	vld [tilespmem:s31+$0x80]  }
0x59: {  	v10 =	vld [tilespmem:s31+$0x100]  }
0x5a: {  	v11 =	vld [tilespmem:s31+$0x180]  }
0x5b: {  	v12 =	vld [tilespmem:s31+$0x200]  }
0x5c: {  	s12 =	sor.u32 s13, s12;
	v33 =	vld [tilespmem:s31+$0x280];
	v7 =	vmin.f32 v7, v8  }
0x5d: {  	v34 =	vld [tilespmem:s31+$0x300];
	s12 =	sor.u32 $0x380, s12;
	v7 =	vmin.f32 v7, v9  }
0x5e: {  	v35 =	vld [tilespmem:s12+$0x0];
	v7 =	vmin.f32 v7, v10  }
0x5f: {  	v36 =	vld [tilespmem:s31+$0x1400];
	v7 =	vmin.f32 v7, v11  }
0x60: {  	v37 =	vld [tilespmem:s31+$0x1480];
	v7 =	vmin.f32 v7, v12  }
0x61: {  	v38 =	vld [tilespmem:s31+$0x1500];
	v7 =	vmin.f32 v7, v33  }
0x62: {  	v39 =	vld [tilespmem:s31+$0x1580];
	v7 =	vmin.f32 v7, v34  }
0x63: {  	v40 =	vld [tilespmem:s31+$0x1600];
	v7 =	vmin.f32 v7, v35  }
0x64: {  	v41 =	vld [tilespmem:s31+$0x1680];
	v7 =	vmin.f32 v7, v36  }
0x65: {  	v42 =	vld [tilespmem:s31+$0x1700];
	v7 =	vmin.f32 v7, v37  }
0x66: {  	v43 =	vld [tilespmem:s31+$0x1780];
	v7 =	vmin.f32 v7, v38  }
0x67: {  	v44 =	vld [tilespmem:s31+$0x2800];
	v7 =	vmin.f32 v7, v39  }
0x68: {  	v45 =	vld [tilespmem:s31+$0x2880];
	v7 =	vmin.f32 v7, v40  }
0x69: {  	v46 =	vld [tilespmem:s31+$0x2900];
	v7 =	vmin.f32 v7, v41  }
0x6a: {  	v47 =	vld [tilespmem:s31+$0x2980];
	v7 =	vmin.f32 v7, v42  }
0x6b: {  	v48 =	vld [tilespmem:s31+$0x2A00];
	v7 =	vmin.f32 v7, v43  }
0x6c: {  	v49 =	vld [tilespmem:s31+$0x2A80];
	v7 =	vmin.f32 v7, v44  }
0x6d: {  	v50 =	vld [tilespmem:s31+$0x2B00];
	v7 =	vmin.f32 v7, v45  }
0x6e: {  	v51 =	vld [tilespmem:s31+$0x2B80];
	v7 =	vmin.f32 v7, v46  }
0x6f: {  	v52 =	vld [tilespmem:s31+$0x3C00];
	v7 =	vmin.f32 v7, v47  }
0x70: {  	v53 =	vld [tilespmem:s31+$0x3C80];
	v7 =	vmin.f32 v7, v48  }
0x71: {  	v54 =	vld [tilespmem:s31+$0x3D00];
	v7 =	vmin.f32 v7, v49  }
0x72: {  	v55 =	vld [tilespmem:s31+$0x3D80];
	v7 =	vmin.f32 v7, v50  }
0x73: {  	v56 =	vld [tilespmem:s31+$0x3E00];
	v7 =	vmin.f32 v7, v51  }
0x74: {  	v57 =	vld [tilespmem:s31+$0x3E80];
	v7 =	vmin.f32 v7, v52  }
0x75: {  	v4 =	vmin.f32 v6, v4;
	v59 =	vld [tilespmem:s31+$0x3F00];
	v58 =	vmin.f32 v7, v53  }
0x76: {  	v2 =	vmin.f32 v4, v2;
	v61 =	vld [tilespmem:s31+$0x3F80];
	v60 =	vmin.f32 v58, v54  }
0x77: {  	v1 =	vmin.f32 v2, v1;
	v62 =	vmin.f32 v60, v55  }
0x78: {  	v1 =	vmin.f32 v1, v3;
	v2 =	vmin.f32 v62, v56  }
0x79: {  	v1 =	vmin.f32 v1, v5;
	v2 =	vmin.f32 v2, v57  }
0x7a: {  	v0 =	vadd.f32 v1, v0;
	v63 =	vmin.f32 v2, v59  }
0x7b: {  	v1 =	vmin.f32 v63, v61  }
0x7c: {  	v0 =	vadd.f32 v1, v0;
	_ =	sdelay $0x1  }
0x7d: {  	(xrf2) =	vadd.scan.msk.f32 $0xffff, v0;
	_ =	sdelay $0x9  }
0x7e: {  	v0, _, _ =	vpop (xrf2)  }
0x7f: {  	v0 =	vbroadcast v0, $0xF  }
0x80: {  	s11 =	sadd.s32 $0x1, s11  }
0x81: {  	p0 =	sne.s32 s11, s6;
	v0 =	vnsel vm0, $0x0, v0  }
.Ltmp1:
0x82: {  	[tilespmem:$0x5280] =	vst v0;
	(pc) =	sbr.rel @p0 .LBB2_1-.Ltmp1, $4  }
0x83: {  	[hbm4b:s5+s2] =	stream.linear.scatter [tilespmem:s10], [sflag:$0x1], $0x80, $0x38;
	[tilespmem:$0x5300] =	vst v63  }
0x84: {  	_ =	swait.ge [sflag:s9], $0x80  }
0x85: {  	[sflag:s9] =	ssyncset.done $0x0  }
0x86: {  	[sflag:s9] =	ssyncadd.s32 $0xFFFFFF80  }
0x87: {  	_ =	sfence.sel $0x180000  }
0x88: {  	[bflag:$0x0] =	sbarrier.arrive $0xFFFF  }
0x89: {  	p0 =	sne.s32 s0, $0x0;
	_ =	strace $0x9000004A  }
0x8a: {  	s0 =	sadd.s32 @!p0 $0x100000, s1;
	[bflag:$0x2] =	sbarrier.arrive $0xFFFF  }
0x8b: {  	[sflag:s0] =	ssyncadd.tile.s32 @!p0 $0x1;
	_ =	shalt  }
.Lfunc_end2:
_tile_overlayer_lowered:
.L_overlay_start_2:
0x8c: {  	(tag) =	ssettag $0x2  }
0x8d: {  	s0 =	rddreg [dreg:$0x0];
	s2 =	stileid.u32  }
0x8e: {  	s1 =	rddreg [dreg:$0x1];
	p0 =	sne.s32 s2, $0x0  }
0x8f: {  	s3 =	rddreg [dreg:$0x2];
	[bflag:$0x3] =	sbarrier.arrive $0xFFFF;
	s2 =	simm.s32 @!p0 $0x1C01  }
0x90: {  	[timem:s3], [sflag:s2] =	dma.local @!p0 [hbm:s0], s1  }
0x91: {  	s0 =	simm.s32 @!p0 $0x1  }
0x92: {  	_ =	swait.ge @!p0 [sflag:s0], s1  }
0x93: {  	s1 =	ssub.s32 @!p0 $0x0, s1;
	[sflag:s0] =	ssyncset.done @!p0 $0x0  }
0x94: {  	[sflag:s0] =	ssyncadd.s32 @!p0 s1  }
0x95: {  	[bflag:$0x3] =	sbarrier.arrive $0xFFFF  }
0x96: {  	_ =	shalt  }

</sc_bundles>
